<compile_context>
chip_gen: v7x
topology: tpu7x:2x2x1
jax: 0.10.2.dev20260603
libtpu: 0.0.44.dev20260713+nightly
codegen_flags: <defaults>
</compile_context>

<pallas_src>
import functools

import numpy as np
import jax
import jax.numpy as jnp
from jax import lax
from jax.experimental import pallas as pl
from jax.experimental.pallas import tpu as pltpu
from jax.experimental.pallas import tpu_sc as plsc

_N = 10000
_E = 320000
_D = 128
_HID = 256
_NC = 2
_NS = 16
_NW = _NC * _NS
_NPAD = 10240
_CHUNK = 128
_NCHUNK = 79
_EPT = _NCHUNK * _CHUNK
_EPAD = _EPT * _NW
_NUM_MASK = 5000

_MASK_IDX = np.random.default_rng(42).permutation(_N)[:_NUM_MASK]
_MASKVEC = np.zeros((_N, 1), np.float32)
_MASKVEC[_MASK_IDX] = 1.0

_mesh = plsc.VectorSubcoreMesh(core_axis_name="c", subcore_axis_name="s",
                               num_cores=_NC, num_subcores=_NS)


@functools.partial(
    pl.kernel,
    out_type=jax.ShapeDtypeStruct((_NC, _NPAD, 16), jnp.float32),
    mesh=_mesh,
    scratch_types=[
        pltpu.VMEM((_NCHUNK, _CHUNK), jnp.int32),
        pltpu.VMEM((_CHUNK, 16), jnp.float32),
        pltpu.VMEM((_CHUNK, 16), jnp.float32),
        pltpu.VMEM_SHARED((_NPAD, 16), jnp.float32),
    ],
)
def _deg_sc(dst_hbm, out_hbm, dst_v, ones_v, zb_v, acc_sh):
    cid = lax.axis_index("c")
    sid = lax.axis_index("s")
    wid = cid * _NS + sid

    one16 = jnp.ones((16,), jnp.float32)
    zero16 = jnp.zeros((16,), jnp.float32)

    def fill_ones(i, carry):
        ones_v[i, :] = one16
        return carry

    lax.fori_loop(0, _CHUNK, fill_ones, 0)

    def fill_zero(i, carry):
        zb_v[i, :] = zero16
        return carry

    lax.fori_loop(0, _CHUNK, fill_zero, 0)

    def zinit(k, carry):
        pltpu.sync_copy(zb_v, acc_sh.at[pl.ds(sid * 640 + k * _CHUNK, _CHUNK)])
        return carry

    lax.fori_loop(0, 5, zinit, 0)
    plsc.subcore_barrier()

    pltpu.sync_copy(dst_hbm.at[wid], dst_v)

    def body(j, carry):
        pltpu.sync_copy(ones_v, acc_sh.at[dst_v.at[j]], add=True)
        return carry

    lax.fori_loop(0, _NCHUNK, body, 0)

    plsc.subcore_barrier()

    def out_body(k, carry):
        off = sid * 640 + k * _CHUNK
        pltpu.sync_copy(acc_sh.at[pl.ds(off, _CHUNK)], ones_v)
        pltpu.sync_copy(ones_v, out_hbm.at[cid, pl.ds(off, _CHUNK)])
        return carry

    lax.fori_loop(0, 5, out_body, 0)


@functools.partial(
    pl.kernel,
    out_type=jax.ShapeDtypeStruct((_NC, _NPAD, _D), jnp.float32),
    mesh=_mesh,
    scratch_types=[
        pltpu.VMEM((_NCHUNK, _CHUNK), jnp.int32),
        pltpu.VMEM((_NCHUNK, _CHUNK), jnp.int32),
        pltpu.VMEM((_CHUNK, _D), jnp.float32),
        pltpu.VMEM_SHARED((_NPAD, _D), jnp.float32),
        pltpu.SemaphoreType.DMA,
    ],
)
def _agg_sc(g_hbm, src_hbm, dst_hbm, out_hbm, src_v, dst_v, rows_v, acc_sh, sem):
    cid = lax.axis_index("c")
    sid = lax.axis_index("s")
    wid = cid * _NS + sid

    zero16 = jnp.zeros((16,), jnp.float32)

    def zbody(i, carry):
        r = i // 8
        c = (i % 8) * 16
        rows_v[r, pl.ds(c, 16)] = zero16
        return carry

    lax.fori_loop(0, _CHUNK * 8, zbody, 0)

    def zinit(k, carry):
        pltpu.sync_copy(rows_v, acc_sh.at[pl.ds(sid * 640 + k * _CHUNK, _CHUNK)])
        return carry

    lax.fori_loop(0, 5, zinit, 0)
    plsc.subcore_barrier()

    pltpu.sync_copy(src_hbm.at[wid], src_v)
    pltpu.sync_copy(dst_hbm.at[wid], dst_v)

    def body(j, carry):
        pltpu.async_copy(g_hbm.at[src_v.at[j]], rows_v, sem).wait()
        pltpu.sync_copy(rows_v, acc_sh.at[dst_v.at[j]], add=True)
        return carry

    lax.fori_loop(0, _NCHUNK, body, 0)

    plsc.subcore_barrier()

    def out_body(k, carry):
        off = sid * 640 + k * _CHUNK
        pltpu.sync_copy(acc_sh.at[pl.ds(off, _CHUNK)], rows_v)
        pltpu.sync_copy(rows_v, out_hbm.at[cid, pl.ds(off, _CHUNK)])
        return carry

    lax.fori_loop(0, 5, out_body, 0)


def _prep_body(x_ref, tok_ref, m_ref, c0_ref, c1_ref, dinv_ref, xm_ref, gv_ref):
    cnt = c0_ref[...] + c1_ref[...]
    dinv = lax.rsqrt(cnt + 1.0)
    m = m_ref[...]
    xm = x_ref[...] * (1.0 - m) + m * tok_ref[...]
    dinv_ref[...] = dinv
    xm_ref[...] = xm
    gv_ref[...] = xm * dinv


def _enc0_body(s0a, s0b, xm, dinv, w0, bias0, ga0, bt0, al0, w1, t1_ref, g1_ref):
    dv = dinv[...]
    u0 = dv * (s0a[...] + s0b[...]) + dv * dv * xm[...]
    t0 = jnp.dot(u0, w0[...], preferred_element_type=jnp.float32) + bias0[...]
    mu = jnp.mean(t0, axis=0, keepdims=True)
    d = t0 - mu
    var = jnp.mean(d * d, axis=0, keepdims=True)
    h = ga0[...] * d * lax.rsqrt(var + 1e-5) + bt0[...]
    h = jnp.where(h >= 0.0, h, al0[...] * h)
    t1 = jnp.dot(h, w1[...], preferred_element_type=jnp.float32)
    t1_ref[...] = t1
    g1_ref[...] = t1 * dv


def _enc1_body(s1a, s1b, t1, dinv, m_ref, bias1, ga1, bt1, al1, wd, t2_ref, g2_ref):
    dv = dinv[...]
    u1 = dv * (s1a[...] + s1b[...]) + dv * dv * t1[...] + bias1[...]
    mu = jnp.mean(u1, axis=0, keepdims=True)
    d = u1 - mu
    var = jnp.mean(d * d, axis=0, keepdims=True)
    h = ga1[...] * d * lax.rsqrt(var + 1e-5) + bt1[...]
    h = jnp.where(h >= 0.0, h, al1[...] * h)
    h = h * (1.0 - m_ref[...])
    t2 = jnp.dot(h, wd[...], preferred_element_type=jnp.float32)
    t2_ref[...] = t2
    g2_ref[...] = t2 * dv


def _dec_body(s2a, s2b, t2, dinv, m_ref, x_ref, biasd, gad, btd, ald, loss_ref):
    dv = dinv[...]
    u2 = dv * (s2a[...] + s2b[...]) + dv * dv * t2[...] + biasd[...]
    mu = jnp.mean(u2, axis=0, keepdims=True)
    d = u2 - mu
    var = jnp.mean(d * d, axis=0, keepdims=True)
    re = gad[...] * d * lax.rsqrt(var + 1e-5) + btd[...]
    re = jnp.where(re >= 0.0, re, ald[...] * re)
    x = x_ref[...]
    rn = jnp.maximum(jnp.sqrt(jnp.sum(re * re, axis=1, keepdims=True)), 1e-12)
    xn = jnp.maximum(jnp.sqrt(jnp.sum(x * x, axis=1, keepdims=True)), 1e-12)
    cos = jnp.sum((re / rn) * (x / xn), axis=1, keepdims=True)
    loss = jnp.sum(m_ref[...] * (1.0 - cos)) * (1.0 / _NUM_MASK)
    loss_ref[...] = jnp.reshape(loss, (1, 1))


def kernel(x, enc_mask_token, W0, b0, g0, be0, a0, W1, b1, g1, be1, a1,
           Wd, bd, gd, bed, ad, edge_index):
    f32 = jnp.float32
    src = edge_index[0].astype(jnp.int32)
    dst = edge_index[1].astype(jnp.int32)
    npad = _EPAD - _E
    pad_idx = _N + (jnp.arange(npad, dtype=jnp.int32) % 64)
    src_p = jnp.concatenate([src, pad_idx]).reshape(_NW, _NCHUNK, _CHUNK)
    dst_p = jnp.concatenate([dst, pad_idx]).reshape(_NW, _NCHUNK, _CHUNK)

    mvec = jnp.asarray(_MASKVEC)
    tok = enc_mask_token.reshape(1, _D)

    degout = _deg_sc(dst_p)
    c0 = degout[0, :_N, 0:1]
    c1 = degout[1, :_N, 0:1]

    dinv, xm, gv = pl.pallas_call(
        _prep_body,
        out_shape=[jax.ShapeDtypeStruct((_N, 1), f32),
                   jax.ShapeDtypeStruct((_N, _D), f32),
                   jax.ShapeDtypeStruct((_N, _D), f32)],
    )(x, tok, mvec, c0, c1)

    rowpad = ((0, _NPAD - _N), (0, 0))
    s0 = _agg_sc(jnp.pad(gv, rowpad), src_p, dst_p)

    t1, g1v = pl.pallas_call(
        _enc0_body,
        out_shape=[jax.ShapeDtypeStruct((_N, _D), f32),
                   jax.ShapeDtypeStruct((_N, _D), f32)],
    )(s0[0, :_N], s0[1, :_N], xm, dinv,
      W0, b0.reshape(1, _HID), g0.reshape(1, _HID), be0.reshape(1, _HID),
      jnp.reshape(a0, (1, 1)), W1)

    s1 = _agg_sc(jnp.pad(g1v, rowpad), src_p, dst_p)

    t2, g2v = pl.pallas_call(
        _enc1_body,
        out_shape=[jax.ShapeDtypeStruct((_N, _D), f32),
                   jax.ShapeDtypeStruct((_N, _D), f32)],
    )(s1[0, :_N], s1[1, :_N], t1, dinv, mvec,
      b1.reshape(1, _D), g1.reshape(1, _D), be1.reshape(1, _D),
      jnp.reshape(a1, (1, 1)), Wd)

    s2 = _agg_sc(jnp.pad(g2v, rowpad), src_p, dst_p)

    loss = pl.pallas_call(
        _dec_body,
        out_shape=jax.ShapeDtypeStruct((1, 1), f32),
    )(s2[0, :_N], s2[1, :_N], t2, dinv, mvec, x,
      bd.reshape(1, _D), gd.reshape(1, _D), bed.reshape(1, _D),
      jnp.reshape(ad, (1, 1)))
    return loss[0, 0]

# --- scband reference (transcript-rebuilt; emitter-appended) ---
"""Pipeline reference for scband-cg-57638461112745 (READ-ONLY COPY).

The authoritative reference and input builder live on the scoring server;
editing this copy changes nothing except your own understanding.
"""

import jax, jax.numpy as jnp
import numpy as np

N = 10000
E = 320000
IN_DIM = 128
HIDDEN = 256
OUT_DIM = 128
RATE = 0.5
NUM_MASK = int(RATE * N)
MASK_NODES = np.random.default_rng(42).permutation(N)[:NUM_MASK]


def _gcn(x, src, dst, W, b):
    n = x.shape[0]
    loop = jnp.arange(n, dtype=src.dtype)
    s = jnp.concatenate([src, loop])
    d = jnp.concatenate([dst, loop])
    deg = jnp.zeros((n,), dtype=x.dtype).at[d].add(1.0)
    dinv = jnp.where(deg > 0, deg ** -0.5, 0.0)
    norm = dinv[s] * dinv[d]
    h = x @ W
    msg = h[s] * norm[:, None]
    out = jnp.zeros((n, W.shape[1]), dtype=x.dtype).at[d].add(msg)
    return out + b


def _bn(x, gamma, beta, eps=1e-5):
    mu = jnp.mean(x, axis=0)
    var = jnp.var(x, axis=0)
    return gamma * (x - mu) / jnp.sqrt(var + eps) + beta


def _prelu(x, a):
    return jnp.where(x >= 0, x, a * x)


def _sce(x, y, alpha=1):
    xn = x / jnp.clip(jnp.linalg.norm(x, axis=-1, keepdims=True), 1e-12)
    yn = y / jnp.clip(jnp.linalg.norm(y, axis=-1, keepdims=True), 1e-12)
    return jnp.mean((1.0 - jnp.sum(xn * yn, axis=-1)) ** alpha)


def setup_inputs(seed: int = 0):
    key = jax.random.key(seed)
    ks = jax.random.split(key, 12)

    def w(k, shape):
        return jax.random.normal(k, shape, dtype=jnp.float32) / jnp.sqrt(shape[0])

    return {
        "x": jax.random.normal(ks[0], (N, IN_DIM), dtype=jnp.float32),
        "enc_mask_token": jnp.zeros((1, IN_DIM), dtype=jnp.float32),
        "W0": w(ks[1], (IN_DIM, HIDDEN)),
        "b0": jnp.zeros((HIDDEN,), jnp.float32),
        "g0": jnp.ones((HIDDEN,), jnp.float32),
        "be0": jnp.zeros((HIDDEN,), jnp.float32),
        "a0": jnp.float32(0.25),
        "W1": w(ks[2], (HIDDEN, OUT_DIM)),
        "b1": jnp.zeros((OUT_DIM,), jnp.float32),
        "g1": jnp.ones((OUT_DIM,), jnp.float32),
        "be1": jnp.zeros((OUT_DIM,), jnp.float32),
        "a1": jnp.float32(0.25),
        "Wd": w(ks[3], (OUT_DIM, IN_DIM)),
        "bd": jnp.zeros((IN_DIM,), jnp.float32),
        "gd": jnp.ones((IN_DIM,), jnp.float32),
        "bed": jnp.zeros((IN_DIM,), jnp.float32),
        "ad": jnp.float32(0.25),
        "edge_index": jax.random.randint(ks[4], (2, E), 0, N, dtype=jnp.int32),
    }


def reference(x, enc_mask_token, W0, b0, g0, be0, a0, W1, b1, g1, be1, a1, Wd, bd, gd, bed, ad, edge_index):
    src, dst = edge_index[0], edge_index[1]
    mask_nodes = jnp.asarray(MASK_NODES)
    xm = x.at[mask_nodes].set(jnp.broadcast_to(enc_mask_token, (NUM_MASK, x.shape[1])))
    h = _prelu(_bn(_gcn(xm, src, dst, W0, b0), g0, be0), a0)
    h = _prelu(_bn(_gcn(h, src, dst, W1, b1), g1, be1), a1)
    h = h.at[mask_nodes].set(0.0)
    re_x = _prelu(_bn(_gcn(h, src, dst, Wd, bd), gd, bed), ad)
    loss = _sce(re_x[mask_nodes], jax.lax.stop_gradient(x[mask_nodes]), alpha=1)
    return loss

if __name__ == "__main__":
    import jax
    _d = setup_inputs()
    print(jax.jit(kernel)(*tuple(_d.values())))

</pallas_src>

<mosaic_0001>
#map = affine_map<(d0, d1) -> (0, 0)>
#map1 = affine_map<(d0, d1) -> (0, 0, 0)>
module attributes {stable_mosaic.version = 14 : i64} {
  func.func @_agg_sc(%arg0: i32, %arg1: i32, %arg2: memref<10240x128xf32, #tpu.memory_space<hbm>>, %arg3: memref<32x79x128xi32, #tpu.memory_space<hbm>>, %arg4: memref<32x79x128xi32, #tpu.memory_space<hbm>>, %arg5: memref<2x10240x128xf32, #tpu.memory_space<hbm>>, %arg6: memref<79x128xi32, #tpu.memory_space<vmem>>, %arg7: memref<79x128xi32, #tpu.memory_space<vmem>>, %arg8: memref<128x128xf32, #tpu.memory_space<vmem>>, %arg9: memref<10240x128xf32, #tpu.memory_space<vmem_shared>>, %arg10: memref<!tpu.dma_semaphore, #tpu.memory_space<semaphore_mem>>) attributes {dimension_semantics = [#tpu.dimension_semantics<core_parallel>, #tpu.dimension_semantics<subcore_parallel>], iteration_bounds = array<i64: 2, 16>, scalar_prefetch = 0 : i64, scratch_operands = 5 : i64, tpu.core_type = #tpu.core_type<sc_vector_subcore>, window_params = [{transform_indices = #map}, {transform_indices = #map1}, {transform_indices = #map1}, {transform_indices = #map1}]} {
    %mul3A = arith.constant 16 : i32
    %mul3A_0 = arith.muli %arg0, %mul3A : i32
    %add3A = arith.addi %mul3A_0, %arg1 : i32
    %broadcast_in_dim3A = arith.constant 0.000000e+00 : f32
    %broadcast_in_dim3A_1 = vector.broadcast %broadcast_in_dim3A : f32 to vector<16xf32>
    %scan3A = arith.constant 0 : i32
    %scan3A_2 = arith.constant 0 : i32
    %scan3A_3 = arith.constant 1024 : i32
    %scan3A_4 = arith.addi %scan3A_2, %scan3A_3 : i32
    %scan3A_5 = arith.constant 1 : i32
    scf.for %scan3A_26 = %scan3A_2 to %scan3A_4 step %scan3A_5  : i32 {
      %jit3A = arith.constant 8 : i32
      %div3A = arith.divsi %scan3A_26, %jit3A : i32
      %sign3A = arith.constant 0 : i32
      %sign3A_27 = arith.cmpi sgt, %scan3A_26, %sign3A : i32
      %sign3A_28 = arith.extui %sign3A_27 : i1 to i32
      %sign3A_29 = arith.constant 0 : i32
      %sign3A_30 = arith.cmpi slt, %scan3A_26, %sign3A_29 : i32
      %sign3A_31 = arith.extui %sign3A_30 : i1 to i32
      %sign3A_32 = arith.subi %sign3A_28, %sign3A_31 : i32
      %sign3A_33 = arith.constant 0 : i32
      %sign3A_34 = arith.cmpi sgt, %jit3A, %sign3A_33 : i32
      %sign3A_35 = arith.extui %sign3A_34 : i1 to i32
      %sign3A_36 = arith.constant 0 : i32
      %sign3A_37 = arith.cmpi slt, %jit3A, %sign3A_36 : i32
      %sign3A_38 = arith.extui %sign3A_37 : i1 to i32
      %sign3A_39 = arith.subi %sign3A_35, %sign3A_38 : i32
      %ne3A = arith.cmpi ne, %sign3A_32, %sign3A_39 : i32
      %rem3A = arith.remsi %scan3A_26, %jit3A : i32
      %ne3A_40 = arith.constant 0 : i32
      %ne3A_41 = arith.cmpi ne, %rem3A, %ne3A_40 : i32
      %and3A = arith.andi %ne3A, %ne3A_41 : i1
      %sub3A = arith.constant 1 : i32
      %sub3A_42 = arith.subi %div3A, %sub3A : i32
      %select_n3A = arith.select %and3A, %sub3A_42, %div3A : i32
      %jit3A_43 = arith.constant 8 : i32
      %eq3A = arith.constant 0 : i32
      %eq3A_44 = arith.cmpi eq, %jit3A_43, %eq3A : i32
      %jit3A_45 = arith.constant 1 : i32
      %select_n3A_46 = arith.select %eq3A_44, %jit3A_45, %jit3A_43 : i32
      %rem3A_47 = arith.remsi %scan3A_26, %select_n3A_46 : i32
      %ne3A_48 = arith.constant 0 : i32
      %ne3A_49 = arith.cmpi ne, %rem3A_47, %ne3A_48 : i32
      %lt3A = arith.constant 0 : i32
      %lt3A_50 = arith.cmpi slt, %rem3A_47, %lt3A : i32
      %lt3A_51 = arith.constant 0 : i32
      %lt3A_52 = arith.cmpi slt, %select_n3A_46, %lt3A_51 : i32
      %ne3A_53 = arith.xori %lt3A_50, %lt3A_52 : i1
      %and3A_54 = arith.andi %ne3A_53, %ne3A_49 : i1
      %add3A_55 = arith.addi %rem3A_47, %select_n3A_46 : i32
      %select_n3A_56 = arith.select %and3A_54, %add3A_55, %rem3A_47 : i32
      %mul3A_57 = arith.constant 16 : i32
      %mul3A_58 = arith.muli %select_n3A_56, %mul3A_57 : i32
      %swap3A = arith.index_cast %select_n3A : i32 to index
      %swap3A_59 = arith.index_cast %mul3A_58 : i32 to index
      %swap3A_60 = tpu.vector_load %arg8[%swap3A, %swap3A_59] {strides = array<i32>} : memref<128x128xf32, #tpu.memory_space<vmem>>, vector<1x16xf32>,
      %swap3A_61 = vector.shape_cast %swap3A_60 : vector<1x16xf32> to vector<16xf32>
      %swap3A_62 = vector.shape_cast %broadcast_in_dim3A_1 : vector<16xf32> to vector<1x16xf32>
      tpu.vector_store %arg8[%swap3A, %swap3A_59], %swap3A_62 {strides = array<i32>} : memref<128x128xf32, #tpu.memory_space<vmem>>, vector<1x16xf32>,
    }
    %scan3A_6 = arith.constant 1024 : i32
    %scan3A_7 = arith.constant 0 : i32
    %scan3A_8 = arith.constant 0 : i32
    %scan3A_9 = arith.constant 5 : i32
    %scan3A_10 = arith.addi %scan3A_8, %scan3A_9 : i32
    %scan3A_11 = arith.constant 1 : i32
    scf.for %scan3A_26 = %scan3A_8 to %scan3A_10 step %scan3A_11  : i32 {
      %mul3A_27 = arith.constant 640 : i32
      %mul3A_28 = arith.muli %arg1, %mul3A_27 : i32
      %mul3A_29 = arith.constant 128 : i32
      %mul3A_30 = arith.muli %scan3A_26, %mul3A_29 : i32
      %add3A_31 = arith.addi %mul3A_28, %mul3A_30 : i32
      "tpu.region"() ({
        %run_scoped3A = tpu.sem_alloc : memref<!tpu.dma_semaphore, #tpu.memory_space<semaphore_mem>>
        %dma_start3A = arith.constant 0 : i32
        %dma_start3A_32 = tpu.memref_slice %arg9[%add3A_31, %dma_start3A] : memref<10240x128xf32, #tpu.memory_space<vmem_shared>> -> memref<128x128xf32, #tpu.memory_space<vmem_shared>>
        %dma_start3A_33 = arith.constant 0 : i32
        %dma_start3A_34 = tpu.memref_slice %arg9[%add3A_31, %dma_start3A_33] : memref<10240x128xf32, #tpu.memory_space<vmem_shared>> -> memref<128x128xf32, #tpu.memory_space<vmem_shared>>
        tpu.enqueue_dma source(%arg8 : memref<128x128xf32, #tpu.memory_space<vmem>>) target(%dma_start3A_34 : memref<128x128xf32, #tpu.memory_space<vmem_shared>>) target_semaphore(%run_scoped3A : memref<!tpu.dma_semaphore, #tpu.memory_space<semaphore_mem>>)
        %dma_wait3A = arith.constant 0 : i32
        %dma_wait3A_35 = tpu.memref_slice %arg9[%add3A_31, %dma_wait3A] : memref<10240x128xf32, #tpu.memory_space<vmem_shared>> -> memref<128x128xf32, #tpu.memory_space<vmem_shared>>
        %dma_wait3A_36 = arith.constant 0 : i32
        %dma_wait3A_37 = tpu.memref_slice %arg9[%add3A_31, %dma_wait3A_36] : memref<10240x128xf32, #tpu.memory_space<vmem_shared>> -> memref<128x128xf32, #tpu.memory_space<vmem_shared>>
        tpu.wait_dma2 semaphore(%run_scoped3A : memref<!tpu.dma_semaphore, #tpu.memory_space<semaphore_mem>>) src(%arg8 : memref<128x128xf32, #tpu.memory_space<vmem>>) dst(%dma_wait3A_37 : memref<128x128xf32, #tpu.memory_space<vmem_shared>>)
        tpu.yield
      }) : () -> ()
    }
    %scan3A_12 = arith.constant 5 : i32
    %barrier3A = arith.constant 0 : index
    tpu.barrier barrier_id(%barrier3A)
    "tpu.region"() ({
      %run_scoped3A = tpu.sem_alloc : memref<!tpu.dma_semaphore, #tpu.memory_space<semaphore_mem>>
      %dma_start3A = arith.constant 0 : i32
      %dma_start3A_26 = arith.constant 0 : i32
      %dma_start3A_27 = tpu.memref_slice %arg3[%add3A, %dma_start3A, %dma_start3A_26] : memref<32x79x128xi32, #tpu.memory_space<hbm>> -> memref<1x79x128xi32, #tpu.memory_space<hbm>>
      %dma_start3A_28 = tpu.memref_squeeze %dma_start3A_27 : memref<1x79x128xi32, #tpu.memory_space<hbm>> -> memref<79x128xi32, #tpu.memory_space<hbm>>
      %dma_start3A_29 = arith.constant 0 : i32
      %dma_start3A_30 = arith.constant 0 : i32
      %dma_start3A_31 = tpu.memref_slice %arg3[%add3A, %dma_start3A_29, %dma_start3A_30] : memref<32x79x128xi32, #tpu.memory_space<hbm>> -> memref<1x79x128xi32, #tpu.memory_space<hbm>>
      %dma_start3A_32 = tpu.memref_squeeze %dma_start3A_31 : memref<1x79x128xi32, #tpu.memory_space<hbm>> -> memref<79x128xi32, #tpu.memory_space<hbm>>
      tpu.enqueue_dma source(%dma_start3A_32 : memref<79x128xi32, #tpu.memory_space<hbm>>) target(%arg6 : memref<79x128xi32, #tpu.memory_space<vmem>>) target_semaphore(%run_scoped3A : memref<!tpu.dma_semaphore, #tpu.memory_space<semaphore_mem>>)
      %dma_wait3A = arith.constant 0 : i32
      %dma_wait3A_33 = arith.constant 0 : i32
      %dma_wait3A_34 = tpu.memref_slice %arg3[%add3A, %dma_wait3A, %dma_wait3A_33] : memref<32x79x128xi32, #tpu.memory_space<hbm>> -> memref<1x79x128xi32, #tpu.memory_space<hbm>>
      %dma_wait3A_35 = tpu.memref_squeeze %dma_wait3A_34 : memref<1x79x128xi32, #tpu.memory_space<hbm>> -> memref<79x128xi32, #tpu.memory_space<hbm>>
      %dma_wait3A_36 = arith.constant 0 : i32
      %dma_wait3A_37 = arith.constant 0 : i32
      %dma_wait3A_38 = tpu.memref_slice %arg3[%add3A, %dma_wait3A_36, %dma_wait3A_37] : memref<32x79x128xi32, #tpu.memory_space<hbm>> -> memref<1x79x128xi32, #tpu.memory_space<hbm>>
      %dma_wait3A_39 = tpu.memref_squeeze %dma_wait3A_38 : memref<1x79x128xi32, #tpu.memory_space<hbm>> -> memref<79x128xi32, #tpu.memory_space<hbm>>
      tpu.wait_dma2 semaphore(%run_scoped3A : memref<!tpu.dma_semaphore, #tpu.memory_space<semaphore_mem>>) src(%dma_wait3A_39 : memref<79x128xi32, #tpu.memory_space<hbm>>) dst(%arg6 : memref<79x128xi32, #tpu.memory_space<vmem>>)
      tpu.yield
    }) : () -> ()
    "tpu.region"() ({
      %run_scoped3A = tpu.sem_alloc : memref<!tpu.dma_semaphore, #tpu.memory_space<semaphore_mem>>
      %dma_start3A = arith.constant 0 : i32
      %dma_start3A_26 = arith.constant 0 : i32
      %dma_start3A_27 = tpu.memref_slice %arg4[%add3A, %dma_start3A, %dma_start3A_26] : memref<32x79x128xi32, #tpu.memory_space<hbm>> -> memref<1x79x128xi32, #tpu.memory_space<hbm>>
      %dma_start3A_28 = tpu.memref_squeeze %dma_start3A_27 : memref<1x79x128xi32, #tpu.memory_space<hbm>> -> memref<79x128xi32, #tpu.memory_space<hbm>>
      %dma_start3A_29 = arith.constant 0 : i32
      %dma_start3A_30 = arith.constant 0 : i32
      %dma_start3A_31 = tpu.memref_slice %arg4[%add3A, %dma_start3A_29, %dma_start3A_30] : memref<32x79x128xi32, #tpu.memory_space<hbm>> -> memref<1x79x128xi32, #tpu.memory_space<hbm>>
      %dma_start3A_32 = tpu.memref_squeeze %dma_start3A_31 : memref<1x79x128xi32, #tpu.memory_space<hbm>> -> memref<79x128xi32, #tpu.memory_space<hbm>>
      tpu.enqueue_dma source(%dma_start3A_32 : memref<79x128xi32, #tpu.memory_space<hbm>>) target(%arg7 : memref<79x128xi32, #tpu.memory_space<vmem>>) target_semaphore(%run_scoped3A : memref<!tpu.dma_semaphore, #tpu.memory_space<semaphore_mem>>)
      %dma_wait3A = arith.constant 0 : i32
      %dma_wait3A_33 = arith.constant 0 : i32
      %dma_wait3A_34 = tpu.memref_slice %arg4[%add3A, %dma_wait3A, %dma_wait3A_33] : memref<32x79x128xi32, #tpu.memory_space<hbm>> -> memref<1x79x128xi32, #tpu.memory_space<hbm>>
      %dma_wait3A_35 = tpu.memref_squeeze %dma_wait3A_34 : memref<1x79x128xi32, #tpu.memory_space<hbm>> -> memref<79x128xi32, #tpu.memory_space<hbm>>
      %dma_wait3A_36 = arith.constant 0 : i32
      %dma_wait3A_37 = arith.constant 0 : i32
      %dma_wait3A_38 = tpu.memref_slice %arg4[%add3A, %dma_wait3A_36, %dma_wait3A_37] : memref<32x79x128xi32, #tpu.memory_space<hbm>> -> memref<1x79x128xi32, #tpu.memory_space<hbm>>
      %dma_wait3A_39 = tpu.memref_squeeze %dma_wait3A_38 : memref<1x79x128xi32, #tpu.memory_space<hbm>> -> memref<79x128xi32, #tpu.memory_space<hbm>>
      tpu.wait_dma2 semaphore(%run_scoped3A : memref<!tpu.dma_semaphore, #tpu.memory_space<semaphore_mem>>) src(%dma_wait3A_39 : memref<79x128xi32, #tpu.memory_space<hbm>>) dst(%arg7 : memref<79x128xi32, #tpu.memory_space<vmem>>)
      tpu.yield
    }) : () -> ()
    %scan3A_13 = arith.constant 0 : i32
    %scan3A_14 = arith.constant 0 : i32
    %scan3A_15 = arith.constant 79 : i32
    %scan3A_16 = arith.addi %scan3A_14, %scan3A_15 : i32
    %scan3A_17 = arith.constant 1 : i32
    scf.for %scan3A_26 = %scan3A_14 to %scan3A_16 step %scan3A_17  : i32 {
      %dma_start3A = arith.constant 0 : i32
      %dma_start3A_27 = tpu.memref_slice %arg6[%scan3A_26, %dma_start3A] : memref<79x128xi32, #tpu.memory_space<vmem>> -> memref<1x128xi32, #tpu.memory_space<vmem>>
      %dma_start3A_28 = tpu.memref_squeeze %dma_start3A_27 : memref<1x128xi32, #tpu.memory_space<vmem>> -> memref<128xi32, #tpu.memory_space<vmem>>
      %dma_start3A_29 = arith.constant 0 : i32
      %dma_start3A_30 = arith.constant 0 : i32
      %dma_start3A_31 = tpu.memref_slice %arg2[%dma_start3A_29, %dma_start3A_30] : memref<10240x128xf32, #tpu.memory_space<hbm>> -> memref<10240x128xf32, #tpu.memory_space<hbm>>
      tpu.enqueue_indirect_dma source(%dma_start3A_31 : memref<10240x128xf32, #tpu.memory_space<hbm>>) target(%arg8 : memref<128x128xf32, #tpu.memory_space<vmem>>) offsets(%dma_start3A_28 : memref<128xi32, #tpu.memory_space<vmem>>) semaphore(%arg10 : memref<!tpu.dma_semaphore, #tpu.memory_space<semaphore_mem>>)
      %dma_wait3A = arith.constant 0 : i32
      %dma_wait3A_32 = tpu.memref_slice %arg6[%scan3A_26, %dma_wait3A] : memref<79x128xi32, #tpu.memory_space<vmem>> -> memref<1x128xi32, #tpu.memory_space<vmem>>
      %dma_wait3A_33 = tpu.memref_squeeze %dma_wait3A_32 : memref<1x128xi32, #tpu.memory_space<vmem>> -> memref<128xi32, #tpu.memory_space<vmem>>
      %dma_wait3A_34 = arith.constant 0 : i32
      %dma_wait3A_35 = arith.constant 0 : i32
      %dma_wait3A_36 = tpu.memref_slice %arg2[%dma_wait3A_34, %dma_wait3A_35] : memref<10240x128xf32, #tpu.memory_space<hbm>> -> memref<10240x128xf32, #tpu.memory_space<hbm>>
      tpu.wait_indirect_dma semaphore(%arg10 : memref<!tpu.dma_semaphore, #tpu.memory_space<semaphore_mem>>) src(%dma_wait3A_36 : memref<10240x128xf32, #tpu.memory_space<hbm>>) dst(%arg8 : memref<128x128xf32, #tpu.memory_space<vmem>>)
      "tpu.region"() ({
        %run_scoped3A = tpu.sem_alloc : memref<!tpu.dma_semaphore, #tpu.memory_space<semaphore_mem>>
        %dma_start3A_37 = arith.constant 0 : i32
        %dma_start3A_38 = tpu.memref_slice %arg7[%scan3A_26, %dma_start3A_37] : memref<79x128xi32, #tpu.memory_space<vmem>> -> memref<1x128xi32, #tpu.memory_space<vmem>>
        %dma_start3A_39 = tpu.memref_squeeze %dma_start3A_38 : memref<1x128xi32, #tpu.memory_space<vmem>> -> memref<128xi32, #tpu.memory_space<vmem>>
        %dma_start3A_40 = arith.constant 0 : i32
        %dma_start3A_41 = arith.constant 0 : i32
        %dma_start3A_42 = tpu.memref_slice %arg9[%dma_start3A_40, %dma_start3A_41] : memref<10240x128xf32, #tpu.memory_space<vmem_shared>> -> memref<10240x128xf32, #tpu.memory_space<vmem_shared>>
        tpu.enqueue_indirect_dma source(%arg8 : memref<128x128xf32, #tpu.memory_space<vmem>>) target(%dma_start3A_42 : memref<10240x128xf32, #tpu.memory_space<vmem_shared>>) offsets(%dma_start3A_39 : memref<128xi32, #tpu.memory_space<vmem>>) semaphore(%run_scoped3A : memref<!tpu.dma_semaphore, #tpu.memory_space<semaphore_mem>>) {add = true}
        %dma_wait3A_43 = arith.constant 0 : i32
        %dma_wait3A_44 = tpu.memref_slice %arg7[%scan3A_26, %dma_wait3A_43] : memref<79x128xi32, #tpu.memory_space<vmem>> -> memref<1x128xi32, #tpu.memory_space<vmem>>
        %dma_wait3A_45 = tpu.memref_squeeze %dma_wait3A_44 : memref<1x128xi32, #tpu.memory_space<vmem>> -> memref<128xi32, #tpu.memory_space<vmem>>
        %dma_wait3A_46 = arith.constant 0 : i32
        %dma_wait3A_47 = arith.constant 0 : i32
        %dma_wait3A_48 = tpu.memref_slice %arg9[%dma_wait3A_46, %dma_wait3A_47] : memref<10240x128xf32, #tpu.memory_space<vmem_shared>> -> memref<10240x128xf32, #tpu.memory_space<vmem_shared>>
        tpu.wait_indirect_dma semaphore(%run_scoped3A : memref<!tpu.dma_semaphore, #tpu.memory_space<semaphore_mem>>) src(%arg8 : memref<128x128xf32, #tpu.memory_space<vmem>>) dst(%dma_wait3A_48 : memref<10240x128xf32, #tpu.memory_space<vmem_shared>>)
        tpu.yield
      }) : () -> ()
    }
    %scan3A_18 = arith.constant 79 : i32
    %barrier3A_19 = arith.constant 0 : index
    tpu.barrier barrier_id(%barrier3A_19)
    %scan3A_20 = arith.constant 0 : i32
    %scan3A_21 = arith.constant 0 : i32
    %scan3A_22 = arith.constant 5 : i32
    %scan3A_23 = arith.addi %scan3A_21, %scan3A_22 : i32
    %scan3A_24 = arith.constant 1 : i32
    scf.for %scan3A_26 = %scan3A_21 to %scan3A_23 step %scan3A_24  : i32 {
      %mul3A_27 = arith.constant 640 : i32
      %mul3A_28 = arith.muli %arg1, %mul3A_27 : i32
      %mul3A_29 = arith.constant 128 : i32
      %mul3A_30 = arith.muli %scan3A_26, %mul3A_29 : i32
      %add3A_31 = arith.addi %mul3A_28, %mul3A_30 : i32
      "tpu.region"() ({
        %run_scoped3A = tpu.sem_alloc : memref<!tpu.dma_semaphore, #tpu.memory_space<semaphore_mem>>
        %dma_start3A = arith.constant 0 : i32
        %dma_start3A_32 = tpu.memref_slice %arg9[%add3A_31, %dma_start3A] : memref<10240x128xf32, #tpu.memory_space<vmem_shared>> -> memref<128x128xf32, #tpu.memory_space<vmem_shared>>
        %dma_start3A_33 = arith.constant 0 : i32
        %dma_start3A_34 = tpu.memref_slice %arg9[%add3A_31, %dma_start3A_33] : memref<10240x128xf32, #tpu.memory_space<vmem_shared>> -> memref<128x128xf32, #tpu.memory_space<vmem_shared>>
        tpu.enqueue_dma source(%dma_start3A_34 : memref<128x128xf32, #tpu.memory_space<vmem_shared>>) target(%arg8 : memref<128x128xf32, #tpu.memory_space<vmem>>) target_semaphore(%run_scoped3A : memref<!tpu.dma_semaphore, #tpu.memory_space<semaphore_mem>>)
        %dma_wait3A = arith.constant 0 : i32
        %dma_wait3A_35 = tpu.memref_slice %arg9[%add3A_31, %dma_wait3A] : memref<10240x128xf32, #tpu.memory_space<vmem_shared>> -> memref<128x128xf32, #tpu.memory_space<vmem_shared>>
        %dma_wait3A_36 = arith.constant 0 : i32
        %dma_wait3A_37 = tpu.memref_slice %arg9[%add3A_31, %dma_wait3A_36] : memref<10240x128xf32, #tpu.memory_space<vmem_shared>> -> memref<128x128xf32, #tpu.memory_space<vmem_shared>>
        tpu.wait_dma2 semaphore(%run_scoped3A : memref<!tpu.dma_semaphore, #tpu.memory_space<semaphore_mem>>) src(%dma_wait3A_37 : memref<128x128xf32, #tpu.memory_space<vmem_shared>>) dst(%arg8 : memref<128x128xf32, #tpu.memory_space<vmem>>)
        tpu.yield
      }) : () -> ()
      "tpu.region"() ({
        %run_scoped3A = tpu.sem_alloc : memref<!tpu.dma_semaphore, #tpu.memory_space<semaphore_mem>>
        %dma_start3A = arith.constant 0 : i32
        %dma_start3A_32 = tpu.memref_slice %arg5[%arg0, %add3A_31, %dma_start3A] : memref<2x10240x128xf32, #tpu.memory_space<hbm>> -> memref<1x128x128xf32, #tpu.memory_space<hbm>>
        %dma_start3A_33 = tpu.memref_squeeze %dma_start3A_32 : memref<1x128x128xf32, #tpu.memory_space<hbm>> -> memref<128x128xf32, #tpu.memory_space<hbm>>
        %dma_start3A_34 = arith.constant 0 : i32
        %dma_start3A_35 = tpu.memref_slice %arg5[%arg0, %add3A_31, %dma_start3A_34] : memref<2x10240x128xf32, #tpu.memory_space<hbm>> -> memref<1x128x128xf32, #tpu.memory_space<hbm>>
        %dma_start3A_36 = tpu.memref_squeeze %dma_start3A_35 : memref<1x128x128xf32, #tpu.memory_space<hbm>> -> memref<128x128xf32, #tpu.memory_space<hbm>>
        tpu.enqueue_dma source(%arg8 : memref<128x128xf32, #tpu.memory_space<vmem>>) target(%dma_start3A_36 : memref<128x128xf32, #tpu.memory_space<hbm>>) target_semaphore(%run_scoped3A : memref<!tpu.dma_semaphore, #tpu.memory_space<semaphore_mem>>)
        %dma_wait3A = arith.constant 0 : i32
        %dma_wait3A_37 = tpu.memref_slice %arg5[%arg0, %add3A_31, %dma_wait3A] : memref<2x10240x128xf32, #tpu.memory_space<hbm>> -> memref<1x128x128xf32, #tpu.memory_space<hbm>>
        %dma_wait3A_38 = tpu.memref_squeeze %dma_wait3A_37 : memref<1x128x128xf32, #tpu.memory_space<hbm>> -> memref<128x128xf32, #tpu.memory_space<hbm>>
        %dma_wait3A_39 = arith.constant 0 : i32
        %dma_wait3A_40 = tpu.memref_slice %arg5[%arg0, %add3A_31, %dma_wait3A_39] : memref<2x10240x128xf32, #tpu.memory_space<hbm>> -> memref<1x128x128xf32, #tpu.memory_space<hbm>>
        %dma_wait3A_41 = tpu.memref_squeeze %dma_wait3A_40 : memref<1x128x128xf32, #tpu.memory_space<hbm>> -> memref<128x128xf32, #tpu.memory_space<hbm>>
        tpu.wait_dma2 semaphore(%run_scoped3A : memref<!tpu.dma_semaphore, #tpu.memory_space<semaphore_mem>>) src(%arg8 : memref<128x128xf32, #tpu.memory_space<vmem>>) dst(%dma_wait3A_41 : memref<128x128xf32, #tpu.memory_space<hbm>>)
        tpu.yield
      }) : () -> ()
    }
    %scan3A_25 = arith.constant 5 : i32
    return
  }
}

#map = affine_map<(d0, d1) -> (0, 0, 0)>
module attributes {stable_mosaic.version = 14 : i64} {
  func.func @_deg_sc(%arg0: i32, %arg1: i32, %arg2: memref<32x79x128xi32, #tpu.memory_space<hbm>>, %arg3: memref<2x10240x16xf32, #tpu.memory_space<hbm>>, %arg4: memref<79x128xi32, #tpu.memory_space<vmem>>, %arg5: memref<128x16xf32, #tpu.memory_space<vmem>>, %arg6: memref<128x16xf32, #tpu.memory_space<vmem>>, %arg7: memref<10240x16xf32, #tpu.memory_space<vmem_shared>>) attributes {dimension_semantics = [#tpu.dimension_semantics<core_parallel>, #tpu.dimension_semantics<subcore_parallel>], iteration_bounds = array<i64: 2, 16>, scalar_prefetch = 0 : i64, scratch_operands = 4 : i64, tpu.core_type = #tpu.core_type<sc_vector_subcore>, window_params = [{transform_indices = #map}, {transform_indices = #map}]} {
    %mul3A = arith.constant 16 : i32
    %mul3A_0 = arith.muli %arg0, %mul3A : i32
    %add3A = arith.addi %mul3A_0, %arg1 : i32
    %broadcast_in_dim3A = arith.constant 1.000000e+00 : f32
    %broadcast_in_dim3A_1 = vector.broadcast %broadcast_in_dim3A : f32 to vector<16xf32>
    %broadcast_in_dim3A_2 = arith.constant 0.000000e+00 : f32
    %broadcast_in_dim3A_3 = vector.broadcast %broadcast_in_dim3A_2 : f32 to vector<16xf32>
    %scan3A = arith.constant 0 : i32
    %scan3A_4 = arith.constant 0 : i32
    %scan3A_5 = arith.constant 128 : i32
    %scan3A_6 = arith.addi %scan3A_4, %scan3A_5 : i32
    %scan3A_7 = arith.constant 1 : i32
    scf.for %scan3A_34 = %scan3A_4 to %scan3A_6 step %scan3A_7  : i32 {
      %swap3A = arith.index_cast %scan3A_34 : i32 to index
      %swap3A_35 = arith.constant 0 : index
      %swap3A_36 = tpu.vector_load %arg5[%swap3A, %swap3A_35] {strides = array<i32>} : memref<128x16xf32, #tpu.memory_space<vmem>>, vector<1x16xf32>,
      %swap3A_37 = vector.shape_cast %swap3A_36 : vector<1x16xf32> to vector<16xf32>
      %swap3A_38 = vector.shape_cast %broadcast_in_dim3A_1 : vector<16xf32> to vector<1x16xf32>
      tpu.vector_store %arg5[%swap3A, %swap3A_35], %swap3A_38 {strides = array<i32>} : memref<128x16xf32, #tpu.memory_space<vmem>>, vector<1x16xf32>,
    }
    %scan3A_8 = arith.constant 128 : i32
    %scan3A_9 = arith.constant 0 : i32
    %scan3A_10 = arith.constant 0 : i32
    %scan3A_11 = arith.constant 128 : i32
    %scan3A_12 = arith.addi %scan3A_10, %scan3A_11 : i32
    %scan3A_13 = arith.constant 1 : i32
    scf.for %scan3A_34 = %scan3A_10 to %scan3A_12 step %scan3A_13  : i32 {
      %swap3A = arith.index_cast %scan3A_34 : i32 to index
      %swap3A_35 = arith.constant 0 : index
      %swap3A_36 = tpu.vector_load %arg6[%swap3A, %swap3A_35] {strides = array<i32>} : memref<128x16xf32, #tpu.memory_space<vmem>>, vector<1x16xf32>,
      %swap3A_37 = vector.shape_cast %swap3A_36 : vector<1x16xf32> to vector<16xf32>
      %swap3A_38 = vector.shape_cast %broadcast_in_dim3A_3 : vector<16xf32> to vector<1x16xf32>
      tpu.vector_store %arg6[%swap3A, %swap3A_35], %swap3A_38 {strides = array<i32>} : memref<128x16xf32, #tpu.memory_space<vmem>>, vector<1x16xf32>,
    }
    %scan3A_14 = arith.constant 128 : i32
    %scan3A_15 = arith.constant 0 : i32
    %scan3A_16 = arith.constant 0 : i32
    %scan3A_17 = arith.constant 5 : i32
    %scan3A_18 = arith.addi %scan3A_16, %scan3A_17 : i32
    %scan3A_19 = arith.constant 1 : i32
    scf.for %scan3A_34 = %scan3A_16 to %scan3A_18 step %scan3A_19  : i32 {
      %mul3A_35 = arith.constant 640 : i32
      %mul3A_36 = arith.muli %arg1, %mul3A_35 : i32
      %mul3A_37 = arith.constant 128 : i32
      %mul3A_38 = arith.muli %scan3A_34, %mul3A_37 : i32
      %add3A_39 = arith.addi %mul3A_36, %mul3A_38 : i32
      "tpu.region"() ({
        %run_scoped3A = tpu.sem_alloc : memref<!tpu.dma_semaphore, #tpu.memory_space<semaphore_mem>>
        %dma_start3A = arith.constant 0 : i32
        %dma_start3A_40 = tpu.memref_slice %arg7[%add3A_39, %dma_start3A] : memref<10240x16xf32, #tpu.memory_space<vmem_shared>> -> memref<128x16xf32, #tpu.memory_space<vmem_shared>>
        %dma_start3A_41 = arith.constant 0 : i32
        %dma_start3A_42 = tpu.memref_slice %arg7[%add3A_39, %dma_start3A_41] : memref<10240x16xf32, #tpu.memory_space<vmem_shared>> -> memref<128x16xf32, #tpu.memory_space<vmem_shared>>
        tpu.enqueue_dma source(%arg6 : memref<128x16xf32, #tpu.memory_space<vmem>>) target(%dma_start3A_42 : memref<128x16xf32, #tpu.memory_space<vmem_shared>>) target_semaphore(%run_scoped3A : memref<!tpu.dma_semaphore, #tpu.memory_space<semaphore_mem>>)
        %dma_wait3A = arith.constant 0 : i32
        %dma_wait3A_43 = tpu.memref_slice %arg7[%add3A_39, %dma_wait3A] : memref<10240x16xf32, #tpu.memory_space<vmem_shared>> -> memref<128x16xf32, #tpu.memory_space<vmem_shared>>
        %dma_wait3A_44 = arith.constant 0 : i32
        %dma_wait3A_45 = tpu.memref_slice %arg7[%add3A_39, %dma_wait3A_44] : memref<10240x16xf32, #tpu.memory_space<vmem_shared>> -> memref<128x16xf32, #tpu.memory_space<vmem_shared>>
        tpu.wait_dma2 semaphore(%run_scoped3A : memref<!tpu.dma_semaphore, #tpu.memory_space<semaphore_mem>>) src(%arg6 : memref<128x16xf32, #tpu.memory_space<vmem>>) dst(%dma_wait3A_45 : memref<128x16xf32, #tpu.memory_space<vmem_shared>>)
        tpu.yield
      }) : () -> ()
    }
    %scan3A_20 = arith.constant 5 : i32
    %barrier3A = arith.constant 0 : index
    tpu.barrier barrier_id(%barrier3A)
    "tpu.region"() ({
      %run_scoped3A = tpu.sem_alloc : memref<!tpu.dma_semaphore, #tpu.memory_space<semaphore_mem>>
      %dma_start3A = arith.constant 0 : i32
      %dma_start3A_34 = arith.constant 0 : i32
      %dma_start3A_35 = tpu.memref_slice %arg2[%add3A, %dma_start3A, %dma_start3A_34] : memref<32x79x128xi32, #tpu.memory_space<hbm>> -> memref<1x79x128xi32, #tpu.memory_space<hbm>>
      %dma_start3A_36 = tpu.memref_squeeze %dma_start3A_35 : memref<1x79x128xi32, #tpu.memory_space<hbm>> -> memref<79x128xi32, #tpu.memory_space<hbm>>
      %dma_start3A_37 = arith.constant 0 : i32
      %dma_start3A_38 = arith.constant 0 : i32
      %dma_start3A_39 = tpu.memref_slice %arg2[%add3A, %dma_start3A_37, %dma_start3A_38] : memref<32x79x128xi32, #tpu.memory_space<hbm>> -> memref<1x79x128xi32, #tpu.memory_space<hbm>>
      %dma_start3A_40 = tpu.memref_squeeze %dma_start3A_39 : memref<1x79x128xi32, #tpu.memory_space<hbm>> -> memref<79x128xi32, #tpu.memory_space<hbm>>
      tpu.enqueue_dma source(%dma_start3A_40 : memref<79x128xi32, #tpu.memory_space<hbm>>) target(%arg4 : memref<79x128xi32, #tpu.memory_space<vmem>>) target_semaphore(%run_scoped3A : memref<!tpu.dma_semaphore, #tpu.memory_space<semaphore_mem>>)
      %dma_wait3A = arith.constant 0 : i32
      %dma_wait3A_41 = arith.constant 0 : i32
      %dma_wait3A_42 = tpu.memref_slice %arg2[%add3A, %dma_wait3A, %dma_wait3A_41] : memref<32x79x128xi32, #tpu.memory_space<hbm>> -> memref<1x79x128xi32, #tpu.memory_space<hbm>>
      %dma_wait3A_43 = tpu.memref_squeeze %dma_wait3A_42 : memref<1x79x128xi32, #tpu.memory_space<hbm>> -> memref<79x128xi32, #tpu.memory_space<hbm>>
      %dma_wait3A_44 = arith.constant 0 : i32
      %dma_wait3A_45 = arith.constant 0 : i32
      %dma_wait3A_46 = tpu.memref_slice %arg2[%add3A, %dma_wait3A_44, %dma_wait3A_45] : memref<32x79x128xi32, #tpu.memory_space<hbm>> -> memref<1x79x128xi32, #tpu.memory_space<hbm>>
      %dma_wait3A_47 = tpu.memref_squeeze %dma_wait3A_46 : memref<1x79x128xi32, #tpu.memory_space<hbm>> -> memref<79x128xi32, #tpu.memory_space<hbm>>
      tpu.wait_dma2 semaphore(%run_scoped3A : memref<!tpu.dma_semaphore, #tpu.memory_space<semaphore_mem>>) src(%dma_wait3A_47 : memref<79x128xi32, #tpu.memory_space<hbm>>) dst(%arg4 : memref<79x128xi32, #tpu.memory_space<vmem>>)
      tpu.yield
    }) : () -> ()
    %scan3A_21 = arith.constant 0 : i32
    %scan3A_22 = arith.constant 0 : i32
    %scan3A_23 = arith.constant 79 : i32
    %scan3A_24 = arith.addi %scan3A_22, %scan3A_23 : i32
    %scan3A_25 = arith.constant 1 : i32
    scf.for %scan3A_34 = %scan3A_22 to %scan3A_24 step %scan3A_25  : i32 {
      "tpu.region"() ({
        %run_scoped3A = tpu.sem_alloc : memref<!tpu.dma_semaphore, #tpu.memory_space<semaphore_mem>>
        %dma_start3A = arith.constant 0 : i32
        %dma_start3A_35 = tpu.memref_slice %arg4[%scan3A_34, %dma_start3A] : memref<79x128xi32, #tpu.memory_space<vmem>> -> memref<1x128xi32, #tpu.memory_space<vmem>>
        %dma_start3A_36 = tpu.memref_squeeze %dma_start3A_35 : memref<1x128xi32, #tpu.memory_space<vmem>> -> memref<128xi32, #tpu.memory_space<vmem>>
        %dma_start3A_37 = arith.constant 0 : i32
        %dma_start3A_38 = arith.constant 0 : i32
        %dma_start3A_39 = tpu.memref_slice %arg7[%dma_start3A_37, %dma_start3A_38] : memref<10240x16xf32, #tpu.memory_space<vmem_shared>> -> memref<10240x16xf32, #tpu.memory_space<vmem_shared>>
        tpu.enqueue_indirect_dma source(%arg5 : memref<128x16xf32, #tpu.memory_space<vmem>>) target(%dma_start3A_39 : memref<10240x16xf32, #tpu.memory_space<vmem_shared>>) offsets(%dma_start3A_36 : memref<128xi32, #tpu.memory_space<vmem>>) semaphore(%run_scoped3A : memref<!tpu.dma_semaphore, #tpu.memory_space<semaphore_mem>>) {add = true}
        %dma_wait3A = arith.constant 0 : i32
        %dma_wait3A_40 = tpu.memref_slice %arg4[%scan3A_34, %dma_wait3A] : memref<79x128xi32, #tpu.memory_space<vmem>> -> memref<1x128xi32, #tpu.memory_space<vmem>>
        %dma_wait3A_41 = tpu.memref_squeeze %dma_wait3A_40 : memref<1x128xi32, #tpu.memory_space<vmem>> -> memref<128xi32, #tpu.memory_space<vmem>>
        %dma_wait3A_42 = arith.constant 0 : i32
        %dma_wait3A_43 = arith.constant 0 : i32
        %dma_wait3A_44 = tpu.memref_slice %arg7[%dma_wait3A_42, %dma_wait3A_43] : memref<10240x16xf32, #tpu.memory_space<vmem_shared>> -> memref<10240x16xf32, #tpu.memory_space<vmem_shared>>
        tpu.wait_indirect_dma semaphore(%run_scoped3A : memref<!tpu.dma_semaphore, #tpu.memory_space<semaphore_mem>>) src(%arg5 : memref<128x16xf32, #tpu.memory_space<vmem>>) dst(%dma_wait3A_44 : memref<10240x16xf32, #tpu.memory_space<vmem_shared>>)
        tpu.yield
      }) : () -> ()
    }
    %scan3A_26 = arith.constant 79 : i32
    %barrier3A_27 = arith.constant 0 : index
    tpu.barrier barrier_id(%barrier3A_27)
    %scan3A_28 = arith.constant 0 : i32
    %scan3A_29 = arith.constant 0 : i32
    %scan3A_30 = arith.constant 5 : i32
    %scan3A_31 = arith.addi %scan3A_29, %scan3A_30 : i32
    %scan3A_32 = arith.constant 1 : i32
    scf.for %scan3A_34 = %scan3A_29 to %scan3A_31 step %scan3A_32  : i32 {
      %mul3A_35 = arith.constant 640 : i32
      %mul3A_36 = arith.muli %arg1, %mul3A_35 : i32
      %mul3A_37 = arith.constant 128 : i32
      %mul3A_38 = arith.muli %scan3A_34, %mul3A_37 : i32
      %add3A_39 = arith.addi %mul3A_36, %mul3A_38 : i32
      "tpu.region"() ({
        %run_scoped3A = tpu.sem_alloc : memref<!tpu.dma_semaphore, #tpu.memory_space<semaphore_mem>>
        %dma_start3A = arith.constant 0 : i32
        %dma_start3A_40 = tpu.memref_slice %arg7[%add3A_39, %dma_start3A] : memref<10240x16xf32, #tpu.memory_space<vmem_shared>> -> memref<128x16xf32, #tpu.memory_space<vmem_shared>>
        %dma_start3A_41 = arith.constant 0 : i32
        %dma_start3A_42 = tpu.memref_slice %arg7[%add3A_39, %dma_start3A_41] : memref<10240x16xf32, #tpu.memory_space<vmem_shared>> -> memref<128x16xf32, #tpu.memory_space<vmem_shared>>
        tpu.enqueue_dma source(%dma_start3A_42 : memref<128x16xf32, #tpu.memory_space<vmem_shared>>) target(%arg5 : memref<128x16xf32, #tpu.memory_space<vmem>>) target_semaphore(%run_scoped3A : memref<!tpu.dma_semaphore, #tpu.memory_space<semaphore_mem>>)
        %dma_wait3A = arith.constant 0 : i32
        %dma_wait3A_43 = tpu.memref_slice %arg7[%add3A_39, %dma_wait3A] : memref<10240x16xf32, #tpu.memory_space<vmem_shared>> -> memref<128x16xf32, #tpu.memory_space<vmem_shared>>
        %dma_wait3A_44 = arith.constant 0 : i32
        %dma_wait3A_45 = tpu.memref_slice %arg7[%add3A_39, %dma_wait3A_44] : memref<10240x16xf32, #tpu.memory_space<vmem_shared>> -> memref<128x16xf32, #tpu.memory_space<vmem_shared>>
        tpu.wait_dma2 semaphore(%run_scoped3A : memref<!tpu.dma_semaphore, #tpu.memory_space<semaphore_mem>>) src(%dma_wait3A_45 : memref<128x16xf32, #tpu.memory_space<vmem_shared>>) dst(%arg5 : memref<128x16xf32, #tpu.memory_space<vmem>>)
        tpu.yield
      }) : () -> ()
      "tpu.region"() ({
        %run_scoped3A = tpu.sem_alloc : memref<!tpu.dma_semaphore, #tpu.memory_space<semaphore_mem>>
        %dma_start3A = arith.constant 0 : i32
        %dma_start3A_40 = tpu.memref_slice %arg3[%arg0, %add3A_39, %dma_start3A] : memref<2x10240x16xf32, #tpu.memory_space<hbm>> -> memref<1x128x16xf32, #tpu.memory_space<hbm>>
        %dma_start3A_41 = tpu.memref_squeeze %dma_start3A_40 : memref<1x128x16xf32, #tpu.memory_space<hbm>> -> memref<128x16xf32, #tpu.memory_space<hbm>>
        %dma_start3A_42 = arith.constant 0 : i32
        %dma_start3A_43 = tpu.memref_slice %arg3[%arg0, %add3A_39, %dma_start3A_42] : memref<2x10240x16xf32, #tpu.memory_space<hbm>> -> memref<1x128x16xf32, #tpu.memory_space<hbm>>
        %dma_start3A_44 = tpu.memref_squeeze %dma_start3A_43 : memref<1x128x16xf32, #tpu.memory_space<hbm>> -> memref<128x16xf32, #tpu.memory_space<hbm>>
        tpu.enqueue_dma source(%arg5 : memref<128x16xf32, #tpu.memory_space<vmem>>) target(%dma_start3A_44 : memref<128x16xf32, #tpu.memory_space<hbm>>) target_semaphore(%run_scoped3A : memref<!tpu.dma_semaphore, #tpu.memory_space<semaphore_mem>>)
        %dma_wait3A = arith.constant 0 : i32
        %dma_wait3A_45 = tpu.memref_slice %arg3[%arg0, %add3A_39, %dma_wait3A] : memref<2x10240x16xf32, #tpu.memory_space<hbm>> -> memref<1x128x16xf32, #tpu.memory_space<hbm>>
        %dma_wait3A_46 = tpu.memref_squeeze %dma_wait3A_45 : memref<1x128x16xf32, #tpu.memory_space<hbm>> -> memref<128x16xf32, #tpu.memory_space<hbm>>
        %dma_wait3A_47 = arith.constant 0 : i32
        %dma_wait3A_48 = tpu.memref_slice %arg3[%arg0, %add3A_39, %dma_wait3A_47] : memref<2x10240x16xf32, #tpu.memory_space<hbm>> -> memref<1x128x16xf32, #tpu.memory_space<hbm>>
        %dma_wait3A_49 = tpu.memref_squeeze %dma_wait3A_48 : memref<1x128x16xf32, #tpu.memory_space<hbm>> -> memref<128x16xf32, #tpu.memory_space<hbm>>
        tpu.wait_dma2 semaphore(%run_scoped3A : memref<!tpu.dma_semaphore, #tpu.memory_space<semaphore_mem>>) src(%arg5 : memref<128x16xf32, #tpu.memory_space<vmem>>) dst(%dma_wait3A_49 : memref<128x16xf32, #tpu.memory_space<hbm>>)
        tpu.yield
      }) : () -> ()
    }
    %scan3A_33 = arith.constant 5 : i32
    return
  }
}

#map = affine_map<(d0, d1) -> (0, 0)>
#map1 = affine_map<(d0, d1) -> (0, 0, 0)>
module attributes {stable_mosaic.version = 14 : i64} {
  func.func @_agg_sc(%arg0: i32, %arg1: i32, %arg2: memref<10240x128xf32, #tpu.memory_space<hbm>>, %arg3: memref<32x79x128xi32, #tpu.memory_space<hbm>>, %arg4: memref<32x79x128xi32, #tpu.memory_space<hbm>>, %arg5: memref<2x10240x128xf32, #tpu.memory_space<hbm>>, %arg6: memref<79x128xi32, #tpu.memory_space<vmem>>, %arg7: memref<79x128xi32, #tpu.memory_space<vmem>>, %arg8: memref<128x128xf32, #tpu.memory_space<vmem>>, %arg9: memref<10240x128xf32, #tpu.memory_space<vmem_shared>>, %arg10: memref<!tpu.dma_semaphore, #tpu.memory_space<semaphore_mem>>) attributes {dimension_semantics = [#tpu.dimension_semantics<core_parallel>, #tpu.dimension_semantics<subcore_parallel>], iteration_bounds = array<i64: 2, 16>, scalar_prefetch = 0 : i64, scratch_operands = 5 : i64, tpu.core_type = #tpu.core_type<sc_vector_subcore>, window_params = [{transform_indices = #map}, {transform_indices = #map1}, {transform_indices = #map1}, {transform_indices = #map1}]} {
    %mul3A = arith.constant 16 : i32
    %mul3A_0 = arith.muli %arg0, %mul3A : i32
    %add3A = arith.addi %mul3A_0, %arg1 : i32
    %broadcast_in_dim3A = arith.constant 0.000000e+00 : f32
    %broadcast_in_dim3A_1 = vector.broadcast %broadcast_in_dim3A : f32 to vector<16xf32>
    %scan3A = arith.constant 0 : i32
    %scan3A_2 = arith.constant 0 : i32
    %scan3A_3 = arith.constant 1024 : i32
    %scan3A_4 = arith.addi %scan3A_2, %scan3A_3 : i32
    %scan3A_5 = arith.constant 1 : i32
    scf.for %scan3A_26 = %scan3A_2 to %scan3A_4 step %scan3A_5  : i32 {
      %jit3A = arith.constant 8 : i32
      %div3A = arith.divsi %scan3A_26, %jit3A : i32
      %sign3A = arith.constant 0 : i32
      %sign3A_27 = arith.cmpi sgt, %scan3A_26, %sign3A : i32
      %sign3A_28 = arith.extui %sign3A_27 : i1 to i32
      %sign3A_29 = arith.constant 0 : i32
      %sign3A_30 = arith.cmpi slt, %scan3A_26, %sign3A_29 : i32
      %sign3A_31 = arith.extui %sign3A_30 : i1 to i32
      %sign3A_32 = arith.subi %sign3A_28, %sign3A_31 : i32
      %sign3A_33 = arith.constant 0 : i32
      %sign3A_34 = arith.cmpi sgt, %jit3A, %sign3A_33 : i32
      %sign3A_35 = arith.extui %sign3A_34 : i1 to i32
      %sign3A_36 = arith.constant 0 : i32
      %sign3A_37 = arith.cmpi slt, %jit3A, %sign3A_36 : i32
      %sign3A_38 = arith.extui %sign3A_37 : i1 to i32
      %sign3A_39 = arith.subi %sign3A_35, %sign3A_38 : i32
      %ne3A = arith.cmpi ne, %sign3A_32, %sign3A_39 : i32
      %rem3A = arith.remsi %scan3A_26, %jit3A : i32
      %ne3A_40 = arith.constant 0 : i32
      %ne3A_41 = arith.cmpi ne, %rem3A, %ne3A_40 : i32
      %and3A = arith.andi %ne3A, %ne3A_41 : i1
      %sub3A = arith.constant 1 : i32
      %sub3A_42 = arith.subi %div3A, %sub3A : i32
      %select_n3A = arith.select %and3A, %sub3A_42, %div3A : i32
      %jit3A_43 = arith.constant 8 : i32
      %eq3A = arith.constant 0 : i32
      %eq3A_44 = arith.cmpi eq, %jit3A_43, %eq3A : i32
      %jit3A_45 = arith.constant 1 : i32
      %select_n3A_46 = arith.select %eq3A_44, %jit3A_45, %jit3A_43 : i32
      %rem3A_47 = arith.remsi %scan3A_26, %select_n3A_46 : i32
      %ne3A_48 = arith.constant 0 : i32
      %ne3A_49 = arith.cmpi ne, %rem3A_47, %ne3A_48 : i32
      %lt3A = arith.constant 0 : i32
      %lt3A_50 = arith.cmpi slt, %rem3A_47, %lt3A : i32
      %lt3A_51 = arith.constant 0 : i32
      %lt3A_52 = arith.cmpi slt, %select_n3A_46, %lt3A_51 : i32
      %ne3A_53 = arith.xori %lt3A_50, %lt3A_52 : i1
      %and3A_54 = arith.andi %ne3A_53, %ne3A_49 : i1
      %add3A_55 = arith.addi %rem3A_47, %select_n3A_46 : i32
      %select_n3A_56 = arith.select %and3A_54, %add3A_55, %rem3A_47 : i32
      %mul3A_57 = arith.constant 16 : i32
      %mul3A_58 = arith.muli %select_n3A_56, %mul3A_57 : i32
      %swap3A = arith.index_cast %select_n3A : i32 to index
      %swap3A_59 = arith.index_cast %mul3A_58 : i32 to index
      %swap3A_60 = tpu.vector_load %arg8[%swap3A, %swap3A_59] {strides = array<i32>} : memref<128x128xf32, #tpu.memory_space<vmem>>, vector<1x16xf32>,
      %swap3A_61 = vector.shape_cast %swap3A_60 : vector<1x16xf32> to vector<16xf32>
      %swap3A_62 = vector.shape_cast %broadcast_in_dim3A_1 : vector<16xf32> to vector<1x16xf32>
      tpu.vector_store %arg8[%swap3A, %swap3A_59], %swap3A_62 {strides = array<i32>} : memref<128x128xf32, #tpu.memory_space<vmem>>, vector<1x16xf32>,
    }
    %scan3A_6 = arith.constant 1024 : i32
    %scan3A_7 = arith.constant 0 : i32
    %scan3A_8 = arith.constant 0 : i32
    %scan3A_9 = arith.constant 5 : i32
    %scan3A_10 = arith.addi %scan3A_8, %scan3A_9 : i32
    %scan3A_11 = arith.constant 1 : i32
    scf.for %scan3A_26 = %scan3A_8 to %scan3A_10 step %scan3A_11  : i32 {
      %mul3A_27 = arith.constant 640 : i32
      %mul3A_28 = arith.muli %arg1, %mul3A_27 : i32
      %mul3A_29 = arith.constant 128 : i32
      %mul3A_30 = arith.muli %scan3A_26, %mul3A_29 : i32
      %add3A_31 = arith.addi %mul3A_28, %mul3A_30 : i32
      "tpu.region"() ({
        %run_scoped3A = tpu.sem_alloc : memref<!tpu.dma_semaphore, #tpu.memory_space<semaphore_mem>>
        %dma_start3A = arith.constant 0 : i32
        %dma_start3A_32 = tpu.memref_slice %arg9[%add3A_31, %dma_start3A] : memref<10240x128xf32, #tpu.memory_space<vmem_shared>> -> memref<128x128xf32, #tpu.memory_space<vmem_shared>>
        %dma_start3A_33 = arith.constant 0 : i32
        %dma_start3A_34 = tpu.memref_slice %arg9[%add3A_31, %dma_start3A_33] : memref<10240x128xf32, #tpu.memory_space<vmem_shared>> -> memref<128x128xf32, #tpu.memory_space<vmem_shared>>
        tpu.enqueue_dma source(%arg8 : memref<128x128xf32, #tpu.memory_space<vmem>>) target(%dma_start3A_34 : memref<128x128xf32, #tpu.memory_space<vmem_shared>>) target_semaphore(%run_scoped3A : memref<!tpu.dma_semaphore, #tpu.memory_space<semaphore_mem>>)
        %dma_wait3A = arith.constant 0 : i32
        %dma_wait3A_35 = tpu.memref_slice %arg9[%add3A_31, %dma_wait3A] : memref<10240x128xf32, #tpu.memory_space<vmem_shared>> -> memref<128x128xf32, #tpu.memory_space<vmem_shared>>
        %dma_wait3A_36 = arith.constant 0 : i32
        %dma_wait3A_37 = tpu.memref_slice %arg9[%add3A_31, %dma_wait3A_36] : memref<10240x128xf32, #tpu.memory_space<vmem_shared>> -> memref<128x128xf32, #tpu.memory_space<vmem_shared>>
        tpu.wait_dma2 semaphore(%run_scoped3A : memref<!tpu.dma_semaphore, #tpu.memory_space<semaphore_mem>>) src(%arg8 : memref<128x128xf32, #tpu.memory_space<vmem>>) dst(%dma_wait3A_37 : memref<128x128xf32, #tpu.memory_space<vmem_shared>>)
        tpu.yield
      }) : () -> ()
    }
    %scan3A_12 = arith.constant 5 : i32
    %barrier3A = arith.constant 0 : index
    tpu.barrier barrier_id(%barrier3A)
    "tpu.region"() ({
      %run_scoped3A = tpu.sem_alloc : memref<!tpu.dma_semaphore, #tpu.memory_space<semaphore_mem>>
      %dma_start3A = arith.constant 0 : i32
      %dma_start3A_26 = arith.constant 0 : i32
      %dma_start3A_27 = tpu.memref_slice %arg3[%add3A, %dma_start3A, %dma_start3A_26] : memref<32x79x128xi32, #tpu.memory_space<hbm>> -> memref<1x79x128xi32, #tpu.memory_space<hbm>>
      %dma_start3A_28 = tpu.memref_squeeze %dma_start3A_27 : memref<1x79x128xi32, #tpu.memory_space<hbm>> -> memref<79x128xi32, #tpu.memory_space<hbm>>
      %dma_start3A_29 = arith.constant 0 : i32
      %dma_start3A_30 = arith.constant 0 : i32
      %dma_start3A_31 = tpu.memref_slice %arg3[%add3A, %dma_start3A_29, %dma_start3A_30] : memref<32x79x128xi32, #tpu.memory_space<hbm>> -> memref<1x79x128xi32, #tpu.memory_space<hbm>>
      %dma_start3A_32 = tpu.memref_squeeze %dma_start3A_31 : memref<1x79x128xi32, #tpu.memory_space<hbm>> -> memref<79x128xi32, #tpu.memory_space<hbm>>
      tpu.enqueue_dma source(%dma_start3A_32 : memref<79x128xi32, #tpu.memory_space<hbm>>) target(%arg6 : memref<79x128xi32, #tpu.memory_space<vmem>>) target_semaphore(%run_scoped3A : memref<!tpu.dma_semaphore, #tpu.memory_space<semaphore_mem>>)
      %dma_wait3A = arith.constant 0 : i32
      %dma_wait3A_33 = arith.constant 0 : i32
      %dma_wait3A_34 = tpu.memref_slice %arg3[%add3A, %dma_wait3A, %dma_wait3A_33] : memref<32x79x128xi32, #tpu.memory_space<hbm>> -> memref<1x79x128xi32, #tpu.memory_space<hbm>>
      %dma_wait3A_35 = tpu.memref_squeeze %dma_wait3A_34 : memref<1x79x128xi32, #tpu.memory_space<hbm>> -> memref<79x128xi32, #tpu.memory_space<hbm>>
      %dma_wait3A_36 = arith.constant 0 : i32
      %dma_wait3A_37 = arith.constant 0 : i32
      %dma_wait3A_38 = tpu.memref_slice %arg3[%add3A, %dma_wait3A_36, %dma_wait3A_37] : memref<32x79x128xi32, #tpu.memory_space<hbm>> -> memref<1x79x128xi32, #tpu.memory_space<hbm>>
      %dma_wait3A_39 = tpu.memref_squeeze %dma_wait3A_38 : memref<1x79x128xi32, #tpu.memory_space<hbm>> -> memref<79x128xi32, #tpu.memory_space<hbm>>
      tpu.wait_dma2 semaphore(%run_scoped3A : memref<!tpu.dma_semaphore, #tpu.memory_space<semaphore_mem>>) src(%dma_wait3A_39 : memref<79x128xi32, #tpu.memory_space<hbm>>) dst(%arg6 : memref<79x128xi32, #tpu.memory_space<vmem>>)
      tpu.yield
    }) : () -> ()
    "tpu.region"() ({
      %run_scoped3A = tpu.sem_alloc : memref<!tpu.dma_semaphore, #tpu.memory_space<semaphore_mem>>
      %dma_start3A = arith.constant 0 : i32
      %dma_start3A_26 = arith.constant 0 : i32
      %dma_start3A_27 = tpu.memref_slice %arg4[%add3A, %dma_start3A, %dma_start3A_26] : memref<32x79x128xi32, #tpu.memory_space<hbm>> -> memref<1x79x128xi32, #tpu.memory_space<hbm>>
      %dma_start3A_28 = tpu.memref_squeeze %dma_start3A_27 : memref<1x79x128xi32, #tpu.memory_space<hbm>> -> memref<79x128xi32, #tpu.memory_space<hbm>>
      %dma_start3A_29 = arith.constant 0 : i32
      %dma_start3A_30 = arith.constant 0 : i32
      %dma_start3A_31 = tpu.memref_slice %arg4[%add3A, %dma_start3A_29, %dma_start3A_30] : memref<32x79x128xi32, #tpu.memory_space<hbm>> -> memref<1x79x128xi32, #tpu.memory_space<hbm>>
      %dma_start3A_32 = tpu.memref_squeeze %dma_start3A_31 : memref<1x79x128xi32, #tpu.memory_space<hbm>> -> memref<79x128xi32, #tpu.memory_space<hbm>>
      tpu.enqueue_dma source(%dma_start3A_32 : memref<79x128xi32, #tpu.memory_space<hbm>>) target(%arg7 : memref<79x128xi32, #tpu.memory_space<vmem>>) target_semaphore(%run_scoped3A : memref<!tpu.dma_semaphore, #tpu.memory_space<semaphore_mem>>)
      %dma_wait3A = arith.constant 0 : i32
      %dma_wait3A_33 = arith.constant 0 : i32
      %dma_wait3A_34 = tpu.memref_slice %arg4[%add3A, %dma_wait3A, %dma_wait3A_33] : memref<32x79x128xi32, #tpu.memory_space<hbm>> -> memref<1x79x128xi32, #tpu.memory_space<hbm>>
      %dma_wait3A_35 = tpu.memref_squeeze %dma_wait3A_34 : memref<1x79x128xi32, #tpu.memory_space<hbm>> -> memref<79x128xi32, #tpu.memory_space<hbm>>
      %dma_wait3A_36 = arith.constant 0 : i32
      %dma_wait3A_37 = arith.constant 0 : i32
      %dma_wait3A_38 = tpu.memref_slice %arg4[%add3A, %dma_wait3A_36, %dma_wait3A_37] : memref<32x79x128xi32, #tpu.memory_space<hbm>> -> memref<1x79x128xi32, #tpu.memory_space<hbm>>
      %dma_wait3A_39 = tpu.memref_squeeze %dma_wait3A_38 : memref<1x79x128xi32, #tpu.memory_space<hbm>> -> memref<79x128xi32, #tpu.memory_space<hbm>>
      tpu.wait_dma2 semaphore(%run_scoped3A : memref<!tpu.dma_semaphore, #tpu.memory_space<semaphore_mem>>) src(%dma_wait3A_39 : memref<79x128xi32, #tpu.memory_space<hbm>>) dst(%arg7 : memref<79x128xi32, #tpu.memory_space<vmem>>)
      tpu.yield
    }) : () -> ()
    %scan3A_13 = arith.constant 0 : i32
    %scan3A_14 = arith.constant 0 : i32
    %scan3A_15 = arith.constant 79 : i32
    %scan3A_16 = arith.addi %scan3A_14, %scan3A_15 : i32
    %scan3A_17 = arith.constant 1 : i32
    scf.for %scan3A_26 = %scan3A_14 to %scan3A_16 step %scan3A_17  : i32 {
      %dma_start3A = arith.constant 0 : i32
      %dma_start3A_27 = tpu.memref_slice %arg6[%scan3A_26, %dma_start3A] : memref<79x128xi32, #tpu.memory_space<vmem>> -> memref<1x128xi32, #tpu.memory_space<vmem>>
      %dma_start3A_28 = tpu.memref_squeeze %dma_start3A_27 : memref<1x128xi32, #tpu.memory_space<vmem>> -> memref<128xi32, #tpu.memory_space<vmem>>
      %dma_start3A_29 = arith.constant 0 : i32
      %dma_start3A_30 = arith.constant 0 : i32
      %dma_start3A_31 = tpu.memref_slice %arg2[%dma_start3A_29, %dma_start3A_30] : memref<10240x128xf32, #tpu.memory_space<hbm>> -> memref<10240x128xf32, #tpu.memory_space<hbm>>
      tpu.enqueue_indirect_dma source(%dma_start3A_31 : memref<10240x128xf32, #tpu.memory_space<hbm>>) target(%arg8 : memref<128x128xf32, #tpu.memory_space<vmem>>) offsets(%dma_start3A_28 : memref<128xi32, #tpu.memory_space<vmem>>) semaphore(%arg10 : memref<!tpu.dma_semaphore, #tpu.memory_space<semaphore_mem>>)
      %dma_wait3A = arith.constant 0 : i32
      %dma_wait3A_32 = tpu.memref_slice %arg6[%scan3A_26, %dma_wait3A] : memref<79x128xi32, #tpu.memory_space<vmem>> -> memref<1x128xi32, #tpu.memory_space<vmem>>
      %dma_wait3A_33 = tpu.memref_squeeze %dma_wait3A_32 : memref<1x128xi32, #tpu.memory_space<vmem>> -> memref<128xi32, #tpu.memory_space<vmem>>
      %dma_wait3A_34 = arith.constant 0 : i32
      %dma_wait3A_35 = arith.constant 0 : i32
      %dma_wait3A_36 = tpu.memref_slice %arg2[%dma_wait3A_34, %dma_wait3A_35] : memref<10240x128xf32, #tpu.memory_space<hbm>> -> memref<10240x128xf32, #tpu.memory_space<hbm>>
      tpu.wait_indirect_dma semaphore(%arg10 : memref<!tpu.dma_semaphore, #tpu.memory_space<semaphore_mem>>) src(%dma_wait3A_36 : memref<10240x128xf32, #tpu.memory_space<hbm>>) dst(%arg8 : memref<128x128xf32, #tpu.memory_space<vmem>>)
      "tpu.region"() ({
        %run_scoped3A = tpu.sem_alloc : memref<!tpu.dma_semaphore, #tpu.memory_space<semaphore_mem>>
        %dma_start3A_37 = arith.constant 0 : i32
        %dma_start3A_38 = tpu.memref_slice %arg7[%scan3A_26, %dma_start3A_37] : memref<79x128xi32, #tpu.memory_space<vmem>> -> memref<1x128xi32, #tpu.memory_space<vmem>>
        %dma_start3A_39 = tpu.memref_squeeze %dma_start3A_38 : memref<1x128xi32, #tpu.memory_space<vmem>> -> memref<128xi32, #tpu.memory_space<vmem>>
        %dma_start3A_40 = arith.constant 0 : i32
        %dma_start3A_41 = arith.constant 0 : i32
        %dma_start3A_42 = tpu.memref_slice %arg9[%dma_start3A_40, %dma_start3A_41] : memref<10240x128xf32, #tpu.memory_space<vmem_shared>> -> memref<10240x128xf32, #tpu.memory_space<vmem_shared>>
        tpu.enqueue_indirect_dma source(%arg8 : memref<128x128xf32, #tpu.memory_space<vmem>>) target(%dma_start3A_42 : memref<10240x128xf32, #tpu.memory_space<vmem_shared>>) offsets(%dma_start3A_39 : memref<128xi32, #tpu.memory_space<vmem>>) semaphore(%run_scoped3A : memref<!tpu.dma_semaphore, #tpu.memory_space<semaphore_mem>>) {add = true}
        %dma_wait3A_43 = arith.constant 0 : i32
        %dma_wait3A_44 = tpu.memref_slice %arg7[%scan3A_26, %dma_wait3A_43] : memref<79x128xi32, #tpu.memory_space<vmem>> -> memref<1x128xi32, #tpu.memory_space<vmem>>
        %dma_wait3A_45 = tpu.memref_squeeze %dma_wait3A_44 : memref<1x128xi32, #tpu.memory_space<vmem>> -> memref<128xi32, #tpu.memory_space<vmem>>
        %dma_wait3A_46 = arith.constant 0 : i32
        %dma_wait3A_47 = arith.constant 0 : i32
        %dma_wait3A_48 = tpu.memref_slice %arg9[%dma_wait3A_46, %dma_wait3A_47] : memref<10240x128xf32, #tpu.memory_space<vmem_shared>> -> memref<10240x128xf32, #tpu.memory_space<vmem_shared>>
        tpu.wait_indirect_dma semaphore(%run_scoped3A : memref<!tpu.dma_semaphore, #tpu.memory_space<semaphore_mem>>) src(%arg8 : memref<128x128xf32, #tpu.memory_space<vmem>>) dst(%dma_wait3A_48 : memref<10240x128xf32, #tpu.memory_space<vmem_shared>>)
        tpu.yield
      }) : () -> ()
    }
    %scan3A_18 = arith.constant 79 : i32
    %barrier3A_19 = arith.constant 0 : index
    tpu.barrier barrier_id(%barrier3A_19)
    %scan3A_20 = arith.constant 0 : i32
    %scan3A_21 = arith.constant 0 : i32
    %scan3A_22 = arith.constant 5 : i32
    %scan3A_23 = arith.addi %scan3A_21, %scan3A_22 : i32
    %scan3A_24 = arith.constant 1 : i32
    scf.for %scan3A_26 = %scan3A_21 to %scan3A_23 step %scan3A_24  : i32 {
      %mul3A_27 = arith.constant 640 : i32
      %mul3A_28 = arith.muli %arg1, %mul3A_27 : i32
      %mul3A_29 = arith.constant 128 : i32
      %mul3A_30 = arith.muli %scan3A_26, %mul3A_29 : i32
      %add3A_31 = arith.addi %mul3A_28, %mul3A_30 : i32
      "tpu.region"() ({
        %run_scoped3A = tpu.sem_alloc : memref<!tpu.dma_semaphore, #tpu.memory_space<semaphore_mem>>
        %dma_start3A = arith.constant 0 : i32
        %dma_start3A_32 = tpu.memref_slice %arg9[%add3A_31, %dma_start3A] : memref<10240x128xf32, #tpu.memory_space<vmem_shared>> -> memref<128x128xf32, #tpu.memory_space<vmem_shared>>
        %dma_start3A_33 = arith.constant 0 : i32
        %dma_start3A_34 = tpu.memref_slice %arg9[%add3A_31, %dma_start3A_33] : memref<10240x128xf32, #tpu.memory_space<vmem_shared>> -> memref<128x128xf32, #tpu.memory_space<vmem_shared>>
        tpu.enqueue_dma source(%dma_start3A_34 : memref<128x128xf32, #tpu.memory_space<vmem_shared>>) target(%arg8 : memref<128x128xf32, #tpu.memory_space<vmem>>) target_semaphore(%run_scoped3A : memref<!tpu.dma_semaphore, #tpu.memory_space<semaphore_mem>>)
        %dma_wait3A = arith.constant 0 : i32
        %dma_wait3A_35 = tpu.memref_slice %arg9[%add3A_31, %dma_wait3A] : memref<10240x128xf32, #tpu.memory_space<vmem_shared>> -> memref<128x128xf32, #tpu.memory_space<vmem_shared>>
        %dma_wait3A_36 = arith.constant 0 : i32
        %dma_wait3A_37 = tpu.memref_slice %arg9[%add3A_31, %dma_wait3A_36] : memref<10240x128xf32, #tpu.memory_space<vmem_shared>> -> memref<128x128xf32, #tpu.memory_space<vmem_shared>>
        tpu.wait_dma2 semaphore(%run_scoped3A : memref<!tpu.dma_semaphore, #tpu.memory_space<semaphore_mem>>) src(%dma_wait3A_37 : memref<128x128xf32, #tpu.memory_space<vmem_shared>>) dst(%arg8 : memref<128x128xf32, #tpu.memory_space<vmem>>)
        tpu.yield
      }) : () -> ()
      "tpu.region"() ({
        %run_scoped3A = tpu.sem_alloc : memref<!tpu.dma_semaphore, #tpu.memory_space<semaphore_mem>>
        %dma_start3A = arith.constant 0 : i32
        %dma_start3A_32 = tpu.memref_slice %arg5[%arg0, %add3A_31, %dma_start3A] : memref<2x10240x128xf32, #tpu.memory_space<hbm>> -> memref<1x128x128xf32, #tpu.memory_space<hbm>>
        %dma_start3A_33 = tpu.memref_squeeze %dma_start3A_32 : memref<1x128x128xf32, #tpu.memory_space<hbm>> -> memref<128x128xf32, #tpu.memory_space<hbm>>
        %dma_start3A_34 = arith.constant 0 : i32
        %dma_start3A_35 = tpu.memref_slice %arg5[%arg0, %add3A_31, %dma_start3A_34] : memref<2x10240x128xf32, #tpu.memory_space<hbm>> -> memref<1x128x128xf32, #tpu.memory_space<hbm>>
        %dma_start3A_36 = tpu.memref_squeeze %dma_start3A_35 : memref<1x128x128xf32, #tpu.memory_space<hbm>> -> memref<128x128xf32, #tpu.memory_space<hbm>>
        tpu.enqueue_dma source(%arg8 : memref<128x128xf32, #tpu.memory_space<vmem>>) target(%dma_start3A_36 : memref<128x128xf32, #tpu.memory_space<hbm>>) target_semaphore(%run_scoped3A : memref<!tpu.dma_semaphore, #tpu.memory_space<semaphore_mem>>)
        %dma_wait3A = arith.constant 0 : i32
        %dma_wait3A_37 = tpu.memref_slice %arg5[%arg0, %add3A_31, %dma_wait3A] : memref<2x10240x128xf32, #tpu.memory_space<hbm>> -> memref<1x128x128xf32, #tpu.memory_space<hbm>>
        %dma_wait3A_38 = tpu.memref_squeeze %dma_wait3A_37 : memref<1x128x128xf32, #tpu.memory_space<hbm>> -> memref<128x128xf32, #tpu.memory_space<hbm>>
        %dma_wait3A_39 = arith.constant 0 : i32
        %dma_wait3A_40 = tpu.memref_slice %arg5[%arg0, %add3A_31, %dma_wait3A_39] : memref<2x10240x128xf32, #tpu.memory_space<hbm>> -> memref<1x128x128xf32, #tpu.memory_space<hbm>>
        %dma_wait3A_41 = tpu.memref_squeeze %dma_wait3A_40 : memref<1x128x128xf32, #tpu.memory_space<hbm>> -> memref<128x128xf32, #tpu.memory_space<hbm>>
        tpu.wait_dma2 semaphore(%run_scoped3A : memref<!tpu.dma_semaphore, #tpu.memory_space<semaphore_mem>>) src(%arg8 : memref<128x128xf32, #tpu.memory_space<vmem>>) dst(%dma_wait3A_41 : memref<128x128xf32, #tpu.memory_space<hbm>>)
        tpu.yield
      }) : () -> ()
    }
    %scan3A_25 = arith.constant 5 : i32
    return
  }
}

#map = affine_map<(d0, d1) -> (0, 0)>
#map1 = affine_map<(d0, d1) -> (0, 0, 0)>
module attributes {stable_mosaic.version = 14 : i64} {
  func.func @_agg_sc(%arg0: i32, %arg1: i32, %arg2: memref<10240x128xf32, #tpu.memory_space<hbm>>, %arg3: memref<32x79x128xi32, #tpu.memory_space<hbm>>, %arg4: memref<32x79x128xi32, #tpu.memory_space<hbm>>, %arg5: memref<2x10240x128xf32, #tpu.memory_space<hbm>>, %arg6: memref<79x128xi32, #tpu.memory_space<vmem>>, %arg7: memref<79x128xi32, #tpu.memory_space<vmem>>, %arg8: memref<128x128xf32, #tpu.memory_space<vmem>>, %arg9: memref<10240x128xf32, #tpu.memory_space<vmem_shared>>, %arg10: memref<!tpu.dma_semaphore, #tpu.memory_space<semaphore_mem>>) attributes {dimension_semantics = [#tpu.dimension_semantics<core_parallel>, #tpu.dimension_semantics<subcore_parallel>], iteration_bounds = array<i64: 2, 16>, scalar_prefetch = 0 : i64, scratch_operands = 5 : i64, tpu.core_type = #tpu.core_type<sc_vector_subcore>, window_params = [{transform_indices = #map}, {transform_indices = #map1}, {transform_indices = #map1}, {transform_indices = #map1}]} {
    %mul3A = arith.constant 16 : i32
    %mul3A_0 = arith.muli %arg0, %mul3A : i32
    %add3A = arith.addi %mul3A_0, %arg1 : i32
    %broadcast_in_dim3A = arith.constant 0.000000e+00 : f32
    %broadcast_in_dim3A_1 = vector.broadcast %broadcast_in_dim3A : f32 to vector<16xf32>
    %scan3A = arith.constant 0 : i32
    %scan3A_2 = arith.constant 0 : i32
    %scan3A_3 = arith.constant 1024 : i32
    %scan3A_4 = arith.addi %scan3A_2, %scan3A_3 : i32
    %scan3A_5 = arith.constant 1 : i32
    scf.for %scan3A_26 = %scan3A_2 to %scan3A_4 step %scan3A_5  : i32 {
      %jit3A = arith.constant 8 : i32
      %div3A = arith.divsi %scan3A_26, %jit3A : i32
      %sign3A = arith.constant 0 : i32
      %sign3A_27 = arith.cmpi sgt, %scan3A_26, %sign3A : i32
      %sign3A_28 = arith.extui %sign3A_27 : i1 to i32
      %sign3A_29 = arith.constant 0 : i32
      %sign3A_30 = arith.cmpi slt, %scan3A_26, %sign3A_29 : i32
      %sign3A_31 = arith.extui %sign3A_30 : i1 to i32
      %sign3A_32 = arith.subi %sign3A_28, %sign3A_31 : i32
      %sign3A_33 = arith.constant 0 : i32
      %sign3A_34 = arith.cmpi sgt, %jit3A, %sign3A_33 : i32
      %sign3A_35 = arith.extui %sign3A_34 : i1 to i32
      %sign3A_36 = arith.constant 0 : i32
      %sign3A_37 = arith.cmpi slt, %jit3A, %sign3A_36 : i32
      %sign3A_38 = arith.extui %sign3A_37 : i1 to i32
      %sign3A_39 = arith.subi %sign3A_35, %sign3A_38 : i32
      %ne3A = arith.cmpi ne, %sign3A_32, %sign3A_39 : i32
      %rem3A = arith.remsi %scan3A_26, %jit3A : i32
      %ne3A_40 = arith.constant 0 : i32
      %ne3A_41 = arith.cmpi ne, %rem3A, %ne3A_40 : i32
      %and3A = arith.andi %ne3A, %ne3A_41 : i1
      %sub3A = arith.constant 1 : i32
      %sub3A_42 = arith.subi %div3A, %sub3A : i32
      %select_n3A = arith.select %and3A, %sub3A_42, %div3A : i32
      %jit3A_43 = arith.constant 8 : i32
      %eq3A = arith.constant 0 : i32
      %eq3A_44 = arith.cmpi eq, %jit3A_43, %eq3A : i32
      %jit3A_45 = arith.constant 1 : i32
      %select_n3A_46 = arith.select %eq3A_44, %jit3A_45, %jit3A_43 : i32
      %rem3A_47 = arith.remsi %scan3A_26, %select_n3A_46 : i32
      %ne3A_48 = arith.constant 0 : i32
      %ne3A_49 = arith.cmpi ne, %rem3A_47, %ne3A_48 : i32
      %lt3A = arith.constant 0 : i32
      %lt3A_50 = arith.cmpi slt, %rem3A_47, %lt3A : i32
      %lt3A_51 = arith.constant 0 : i32
      %lt3A_52 = arith.cmpi slt, %select_n3A_46, %lt3A_51 : i32
      %ne3A_53 = arith.xori %lt3A_50, %lt3A_52 : i1
      %and3A_54 = arith.andi %ne3A_53, %ne3A_49 : i1
      %add3A_55 = arith.addi %rem3A_47, %select_n3A_46 : i32
      %select_n3A_56 = arith.select %and3A_54, %add3A_55, %rem3A_47 : i32
      %mul3A_57 = arith.constant 16 : i32
      %mul3A_58 = arith.muli %select_n3A_56, %mul3A_57 : i32
      %swap3A = arith.index_cast %select_n3A : i32 to index
      %swap3A_59 = arith.index_cast %mul3A_58 : i32 to index
      %swap3A_60 = tpu.vector_load %arg8[%swap3A, %swap3A_59] {strides = array<i32>} : memref<128x128xf32, #tpu.memory_space<vmem>>, vector<1x16xf32>,
      %swap3A_61 = vector.shape_cast %swap3A_60 : vector<1x16xf32> to vector<16xf32>
      %swap3A_62 = vector.shape_cast %broadcast_in_dim3A_1 : vector<16xf32> to vector<1x16xf32>
      tpu.vector_store %arg8[%swap3A, %swap3A_59], %swap3A_62 {strides = array<i32>} : memref<128x128xf32, #tpu.memory_space<vmem>>, vector<1x16xf32>,
    }
    %scan3A_6 = arith.constant 1024 : i32
    %scan3A_7 = arith.constant 0 : i32
    %scan3A_8 = arith.constant 0 : i32
    %scan3A_9 = arith.constant 5 : i32
    %scan3A_10 = arith.addi %scan3A_8, %scan3A_9 : i32
    %scan3A_11 = arith.constant 1 : i32
    scf.for %scan3A_26 = %scan3A_8 to %scan3A_10 step %scan3A_11  : i32 {
      %mul3A_27 = arith.constant 640 : i32
      %mul3A_28 = arith.muli %arg1, %mul3A_27 : i32
      %mul3A_29 = arith.constant 128 : i32
      %mul3A_30 = arith.muli %scan3A_26, %mul3A_29 : i32
      %add3A_31 = arith.addi %mul3A_28, %mul3A_30 : i32
      "tpu.region"() ({
        %run_scoped3A = tpu.sem_alloc : memref<!tpu.dma_semaphore, #tpu.memory_space<semaphore_mem>>
        %dma_start3A = arith.constant 0 : i32
        %dma_start3A_32 = tpu.memref_slice %arg9[%add3A_31, %dma_start3A] : memref<10240x128xf32, #tpu.memory_space<vmem_shared>> -> memref<128x128xf32, #tpu.memory_space<vmem_shared>>
        %dma_start3A_33 = arith.constant 0 : i32
        %dma_start3A_34 = tpu.memref_slice %arg9[%add3A_31, %dma_start3A_33] : memref<10240x128xf32, #tpu.memory_space<vmem_shared>> -> memref<128x128xf32, #tpu.memory_space<vmem_shared>>
        tpu.enqueue_dma source(%arg8 : memref<128x128xf32, #tpu.memory_space<vmem>>) target(%dma_start3A_34 : memref<128x128xf32, #tpu.memory_space<vmem_shared>>) target_semaphore(%run_scoped3A : memref<!tpu.dma_semaphore, #tpu.memory_space<semaphore_mem>>)
        %dma_wait3A = arith.constant 0 : i32
        %dma_wait3A_35 = tpu.memref_slice %arg9[%add3A_31, %dma_wait3A] : memref<10240x128xf32, #tpu.memory_space<vmem_shared>> -> memref<128x128xf32, #tpu.memory_space<vmem_shared>>
        %dma_wait3A_36 = arith.constant 0 : i32
        %dma_wait3A_37 = tpu.memref_slice %arg9[%add3A_31, %dma_wait3A_36] : memref<10240x128xf32, #tpu.memory_space<vmem_shared>> -> memref<128x128xf32, #tpu.memory_space<vmem_shared>>
        tpu.wait_dma2 semaphore(%run_scoped3A : memref<!tpu.dma_semaphore, #tpu.memory_space<semaphore_mem>>) src(%arg8 : memref<128x128xf32, #tpu.memory_space<vmem>>) dst(%dma_wait3A_37 : memref<128x128xf32, #tpu.memory_space<vmem_shared>>)
        tpu.yield
      }) : () -> ()
    }
    %scan3A_12 = arith.constant 5 : i32
    %barrier3A = arith.constant 0 : index
    tpu.barrier barrier_id(%barrier3A)
    "tpu.region"() ({
      %run_scoped3A = tpu.sem_alloc : memref<!tpu.dma_semaphore, #tpu.memory_space<semaphore_mem>>
      %dma_start3A = arith.constant 0 : i32
      %dma_start3A_26 = arith.constant 0 : i32
      %dma_start3A_27 = tpu.memref_slice %arg3[%add3A, %dma_start3A, %dma_start3A_26] : memref<32x79x128xi32, #tpu.memory_space<hbm>> -> memref<1x79x128xi32, #tpu.memory_space<hbm>>
      %dma_start3A_28 = tpu.memref_squeeze %dma_start3A_27 : memref<1x79x128xi32, #tpu.memory_space<hbm>> -> memref<79x128xi32, #tpu.memory_space<hbm>>
      %dma_start3A_29 = arith.constant 0 : i32
      %dma_start3A_30 = arith.constant 0 : i32
      %dma_start3A_31 = tpu.memref_slice %arg3[%add3A, %dma_start3A_29, %dma_start3A_30] : memref<32x79x128xi32, #tpu.memory_space<hbm>> -> memref<1x79x128xi32, #tpu.memory_space<hbm>>
      %dma_start3A_32 = tpu.memref_squeeze %dma_start3A_31 : memref<1x79x128xi32, #tpu.memory_space<hbm>> -> memref<79x128xi32, #tpu.memory_space<hbm>>
      tpu.enqueue_dma source(%dma_start3A_32 : memref<79x128xi32, #tpu.memory_space<hbm>>) target(%arg6 : memref<79x128xi32, #tpu.memory_space<vmem>>) target_semaphore(%run_scoped3A : memref<!tpu.dma_semaphore, #tpu.memory_space<semaphore_mem>>)
      %dma_wait3A = arith.constant 0 : i32
      %dma_wait3A_33 = arith.constant 0 : i32
      %dma_wait3A_34 = tpu.memref_slice %arg3[%add3A, %dma_wait3A, %dma_wait3A_33] : memref<32x79x128xi32, #tpu.memory_space<hbm>> -> memref<1x79x128xi32, #tpu.memory_space<hbm>>
      %dma_wait3A_35 = tpu.memref_squeeze %dma_wait3A_34 : memref<1x79x128xi32, #tpu.memory_space<hbm>> -> memref<79x128xi32, #tpu.memory_space<hbm>>
      %dma_wait3A_36 = arith.constant 0 : i32
      %dma_wait3A_37 = arith.constant 0 : i32
      %dma_wait3A_38 = tpu.memref_slice %arg3[%add3A, %dma_wait3A_36, %dma_wait3A_37] : memref<32x79x128xi32, #tpu.memory_space<hbm>> -> memref<1x79x128xi32, #tpu.memory_space<hbm>>
      %dma_wait3A_39 = tpu.memref_squeeze %dma_wait3A_38 : memref<1x79x128xi32, #tpu.memory_space<hbm>> -> memref<79x128xi32, #tpu.memory_space<hbm>>
      tpu.wait_dma2 semaphore(%run_scoped3A : memref<!tpu.dma_semaphore, #tpu.memory_space<semaphore_mem>>) src(%dma_wait3A_39 : memref<79x128xi32, #tpu.memory_space<hbm>>) dst(%arg6 : memref<79x128xi32, #tpu.memory_space<vmem>>)
      tpu.yield
    }) : () -> ()
    "tpu.region"() ({
      %run_scoped3A = tpu.sem_alloc : memref<!tpu.dma_semaphore, #tpu.memory_space<semaphore_mem>>
      %dma_start3A = arith.constant 0 : i32
      %dma_start3A_26 = arith.constant 0 : i32
      %dma_start3A_27 = tpu.memref_slice %arg4[%add3A, %dma_start3A, %dma_start3A_26] : memref<32x79x128xi32, #tpu.memory_space<hbm>> -> memref<1x79x128xi32, #tpu.memory_space<hbm>>
      %dma_start3A_28 = tpu.memref_squeeze %dma_start3A_27 : memref<1x79x128xi32, #tpu.memory_space<hbm>> -> memref<79x128xi32, #tpu.memory_space<hbm>>
      %dma_start3A_29 = arith.constant 0 : i32
      %dma_start3A_30 = arith.constant 0 : i32
      %dma_start3A_31 = tpu.memref_slice %arg4[%add3A, %dma_start3A_29, %dma_start3A_30] : memref<32x79x128xi32, #tpu.memory_space<hbm>> -> memref<1x79x128xi32, #tpu.memory_space<hbm>>
      %dma_start3A_32 = tpu.memref_squeeze %dma_start3A_31 : memref<1x79x128xi32, #tpu.memory_space<hbm>> -> memref<79x128xi32, #tpu.memory_space<hbm>>
      tpu.enqueue_dma source(%dma_start3A_32 : memref<79x128xi32, #tpu.memory_space<hbm>>) target(%arg7 : memref<79x128xi32, #tpu.memory_space<vmem>>) target_semaphore(%run_scoped3A : memref<!tpu.dma_semaphore, #tpu.memory_space<semaphore_mem>>)
      %dma_wait3A = arith.constant 0 : i32
      %dma_wait3A_33 = arith.constant 0 : i32
      %dma_wait3A_34 = tpu.memref_slice %arg4[%add3A, %dma_wait3A, %dma_wait3A_33] : memref<32x79x128xi32, #tpu.memory_space<hbm>> -> memref<1x79x128xi32, #tpu.memory_space<hbm>>
      %dma_wait3A_35 = tpu.memref_squeeze %dma_wait3A_34 : memref<1x79x128xi32, #tpu.memory_space<hbm>> -> memref<79x128xi32, #tpu.memory_space<hbm>>
      %dma_wait3A_36 = arith.constant 0 : i32
      %dma_wait3A_37 = arith.constant 0 : i32
      %dma_wait3A_38 = tpu.memref_slice %arg4[%add3A, %dma_wait3A_36, %dma_wait3A_37] : memref<32x79x128xi32, #tpu.memory_space<hbm>> -> memref<1x79x128xi32, #tpu.memory_space<hbm>>
      %dma_wait3A_39 = tpu.memref_squeeze %dma_wait3A_38 : memref<1x79x128xi32, #tpu.memory_space<hbm>> -> memref<79x128xi32, #tpu.memory_space<hbm>>
      tpu.wait_dma2 semaphore(%run_scoped3A : memref<!tpu.dma_semaphore, #tpu.memory_space<semaphore_mem>>) src(%dma_wait3A_39 : memref<79x128xi32, #tpu.memory_space<hbm>>) dst(%arg7 : memref<79x128xi32, #tpu.memory_space<vmem>>)
      tpu.yield
    }) : () -> ()
    %scan3A_13 = arith.constant 0 : i32
    %scan3A_14 = arith.constant 0 : i32
    %scan3A_15 = arith.constant 79 : i32
    %scan3A_16 = arith.addi %scan3A_14, %scan3A_15 : i32
    %scan3A_17 = arith.constant 1 : i32
    scf.for %scan3A_26 = %scan3A_14 to %scan3A_16 step %scan3A_17  : i32 {
      %dma_start3A = arith.constant 0 : i32
      %dma_start3A_27 = tpu.memref_slice %arg6[%scan3A_26, %dma_start3A] : memref<79x128xi32, #tpu.memory_space<vmem>> -> memref<1x128xi32, #tpu.memory_space<vmem>>
      %dma_start3A_28 = tpu.memref_squeeze %dma_start3A_27 : memref<1x128xi32, #tpu.memory_space<vmem>> -> memref<128xi32, #tpu.memory_space<vmem>>
      %dma_start3A_29 = arith.constant 0 : i32
      %dma_start3A_30 = arith.constant 0 : i32
      %dma_start3A_31 = tpu.memref_slice %arg2[%dma_start3A_29, %dma_start3A_30] : memref<10240x128xf32, #tpu.memory_space<hbm>> -> memref<10240x128xf32, #tpu.memory_space<hbm>>
      tpu.enqueue_indirect_dma source(%dma_start3A_31 : memref<10240x128xf32, #tpu.memory_space<hbm>>) target(%arg8 : memref<128x128xf32, #tpu.memory_space<vmem>>) offsets(%dma_start3A_28 : memref<128xi32, #tpu.memory_space<vmem>>) semaphore(%arg10 : memref<!tpu.dma_semaphore, #tpu.memory_space<semaphore_mem>>)
      %dma_wait3A = arith.constant 0 : i32
      %dma_wait3A_32 = tpu.memref_slice %arg6[%scan3A_26, %dma_wait3A] : memref<79x128xi32, #tpu.memory_space<vmem>> -> memref<1x128xi32, #tpu.memory_space<vmem>>
      %dma_wait3A_33 = tpu.memref_squeeze %dma_wait3A_32 : memref<1x128xi32, #tpu.memory_space<vmem>> -> memref<128xi32, #tpu.memory_space<vmem>>
      %dma_wait3A_34 = arith.constant 0 : i32
      %dma_wait3A_35 = arith.constant 0 : i32
      %dma_wait3A_36 = tpu.memref_slice %arg2[%dma_wait3A_34, %dma_wait3A_35] : memref<10240x128xf32, #tpu.memory_space<hbm>> -> memref<10240x128xf32, #tpu.memory_space<hbm>>
      tpu.wait_indirect_dma semaphore(%arg10 : memref<!tpu.dma_semaphore, #tpu.memory_space<semaphore_mem>>) src(%dma_wait3A_36 : memref<10240x128xf32, #tpu.memory_space<hbm>>) dst(%arg8 : memref<128x128xf32, #tpu.memory_space<vmem>>)
      "tpu.region"() ({
        %run_scoped3A = tpu.sem_alloc : memref<!tpu.dma_semaphore, #tpu.memory_space<semaphore_mem>>
        %dma_start3A_37 = arith.constant 0 : i32
        %dma_start3A_38 = tpu.memref_slice %arg7[%scan3A_26, %dma_start3A_37] : memref<79x128xi32, #tpu.memory_space<vmem>> -> memref<1x128xi32, #tpu.memory_space<vmem>>
        %dma_start3A_39 = tpu.memref_squeeze %dma_start3A_38 : memref<1x128xi32, #tpu.memory_space<vmem>> -> memref<128xi32, #tpu.memory_space<vmem>>
        %dma_start3A_40 = arith.constant 0 : i32
        %dma_start3A_41 = arith.constant 0 : i32
        %dma_start3A_42 = tpu.memref_slice %arg9[%dma_start3A_40, %dma_start3A_41] : memref<10240x128xf32, #tpu.memory_space<vmem_shared>> -> memref<10240x128xf32, #tpu.memory_space<vmem_shared>>
        tpu.enqueue_indirect_dma source(%arg8 : memref<128x128xf32, #tpu.memory_space<vmem>>) target(%dma_start3A_42 : memref<10240x128xf32, #tpu.memory_space<vmem_shared>>) offsets(%dma_start3A_39 : memref<128xi32, #tpu.memory_space<vmem>>) semaphore(%run_scoped3A : memref<!tpu.dma_semaphore, #tpu.memory_space<semaphore_mem>>) {add = true}
        %dma_wait3A_43 = arith.constant 0 : i32
        %dma_wait3A_44 = tpu.memref_slice %arg7[%scan3A_26, %dma_wait3A_43] : memref<79x128xi32, #tpu.memory_space<vmem>> -> memref<1x128xi32, #tpu.memory_space<vmem>>
        %dma_wait3A_45 = tpu.memref_squeeze %dma_wait3A_44 : memref<1x128xi32, #tpu.memory_space<vmem>> -> memref<128xi32, #tpu.memory_space<vmem>>
        %dma_wait3A_46 = arith.constant 0 : i32
        %dma_wait3A_47 = arith.constant 0 : i32
        %dma_wait3A_48 = tpu.memref_slice %arg9[%dma_wait3A_46, %dma_wait3A_47] : memref<10240x128xf32, #tpu.memory_space<vmem_shared>> -> memref<10240x128xf32, #tpu.memory_space<vmem_shared>>
        tpu.wait_indirect_dma semaphore(%run_scoped3A : memref<!tpu.dma_semaphore, #tpu.memory_space<semaphore_mem>>) src(%arg8 : memref<128x128xf32, #tpu.memory_space<vmem>>) dst(%dma_wait3A_48 : memref<10240x128xf32, #tpu.memory_space<vmem_shared>>)
        tpu.yield
      }) : () -> ()
    }
    %scan3A_18 = arith.constant 79 : i32
    %barrier3A_19 = arith.constant 0 : index
    tpu.barrier barrier_id(%barrier3A_19)
    %scan3A_20 = arith.constant 0 : i32
    %scan3A_21 = arith.constant 0 : i32
    %scan3A_22 = arith.constant 5 : i32
    %scan3A_23 = arith.addi %scan3A_21, %scan3A_22 : i32
    %scan3A_24 = arith.constant 1 : i32
    scf.for %scan3A_26 = %scan3A_21 to %scan3A_23 step %scan3A_24  : i32 {
      %mul3A_27 = arith.constant 640 : i32
      %mul3A_28 = arith.muli %arg1, %mul3A_27 : i32
      %mul3A_29 = arith.constant 128 : i32
      %mul3A_30 = arith.muli %scan3A_26, %mul3A_29 : i32
      %add3A_31 = arith.addi %mul3A_28, %mul3A_30 : i32
      "tpu.region"() ({
        %run_scoped3A = tpu.sem_alloc : memref<!tpu.dma_semaphore, #tpu.memory_space<semaphore_mem>>
        %dma_start3A = arith.constant 0 : i32
        %dma_start3A_32 = tpu.memref_slice %arg9[%add3A_31, %dma_start3A] : memref<10240x128xf32, #tpu.memory_space<vmem_shared>> -> memref<128x128xf32, #tpu.memory_space<vmem_shared>>
        %dma_start3A_33 = arith.constant 0 : i32
        %dma_start3A_34 = tpu.memref_slice %arg9[%add3A_31, %dma_start3A_33] : memref<10240x128xf32, #tpu.memory_space<vmem_shared>> -> memref<128x128xf32, #tpu.memory_space<vmem_shared>>
        tpu.enqueue_dma source(%dma_start3A_34 : memref<128x128xf32, #tpu.memory_space<vmem_shared>>) target(%arg8 : memref<128x128xf32, #tpu.memory_space<vmem>>) target_semaphore(%run_scoped3A : memref<!tpu.dma_semaphore, #tpu.memory_space<semaphore_mem>>)
        %dma_wait3A = arith.constant 0 : i32
        %dma_wait3A_35 = tpu.memref_slice %arg9[%add3A_31, %dma_wait3A] : memref<10240x128xf32, #tpu.memory_space<vmem_shared>> -> memref<128x128xf32, #tpu.memory_space<vmem_shared>>
        %dma_wait3A_36 = arith.constant 0 : i32
        %dma_wait3A_37 = tpu.memref_slice %arg9[%add3A_31, %dma_wait3A_36] : memref<10240x128xf32, #tpu.memory_space<vmem_shared>> -> memref<128x128xf32, #tpu.memory_space<vmem_shared>>
        tpu.wait_dma2 semaphore(%run_scoped3A : memref<!tpu.dma_semaphore, #tpu.memory_space<semaphore_mem>>) src(%dma_wait3A_37 : memref<128x128xf32, #tpu.memory_space<vmem_shared>>) dst(%arg8 : memref<128x128xf32, #tpu.memory_space<vmem>>)
        tpu.yield
      }) : () -> ()
      "tpu.region"() ({
        %run_scoped3A = tpu.sem_alloc : memref<!tpu.dma_semaphore, #tpu.memory_space<semaphore_mem>>
        %dma_start3A = arith.constant 0 : i32
        %dma_start3A_32 = tpu.memref_slice %arg5[%arg0, %add3A_31, %dma_start3A] : memref<2x10240x128xf32, #tpu.memory_space<hbm>> -> memref<1x128x128xf32, #tpu.memory_space<hbm>>
        %dma_start3A_33 = tpu.memref_squeeze %dma_start3A_32 : memref<1x128x128xf32, #tpu.memory_space<hbm>> -> memref<128x128xf32, #tpu.memory_space<hbm>>
        %dma_start3A_34 = arith.constant 0 : i32
        %dma_start3A_35 = tpu.memref_slice %arg5[%arg0, %add3A_31, %dma_start3A_34] : memref<2x10240x128xf32, #tpu.memory_space<hbm>> -> memref<1x128x128xf32, #tpu.memory_space<hbm>>
        %dma_start3A_36 = tpu.memref_squeeze %dma_start3A_35 : memref<1x128x128xf32, #tpu.memory_space<hbm>> -> memref<128x128xf32, #tpu.memory_space<hbm>>
        tpu.enqueue_dma source(%arg8 : memref<128x128xf32, #tpu.memory_space<vmem>>) target(%dma_start3A_36 : memref<128x128xf32, #tpu.memory_space<hbm>>) target_semaphore(%run_scoped3A : memref<!tpu.dma_semaphore, #tpu.memory_space<semaphore_mem>>)
        %dma_wait3A = arith.constant 0 : i32
        %dma_wait3A_37 = tpu.memref_slice %arg5[%arg0, %add3A_31, %dma_wait3A] : memref<2x10240x128xf32, #tpu.memory_space<hbm>> -> memref<1x128x128xf32, #tpu.memory_space<hbm>>
        %dma_wait3A_38 = tpu.memref_squeeze %dma_wait3A_37 : memref<1x128x128xf32, #tpu.memory_space<hbm>> -> memref<128x128xf32, #tpu.memory_space<hbm>>
        %dma_wait3A_39 = arith.constant 0 : i32
        %dma_wait3A_40 = tpu.memref_slice %arg5[%arg0, %add3A_31, %dma_wait3A_39] : memref<2x10240x128xf32, #tpu.memory_space<hbm>> -> memref<1x128x128xf32, #tpu.memory_space<hbm>>
        %dma_wait3A_41 = tpu.memref_squeeze %dma_wait3A_40 : memref<1x128x128xf32, #tpu.memory_space<hbm>> -> memref<128x128xf32, #tpu.memory_space<hbm>>
        tpu.wait_dma2 semaphore(%run_scoped3A : memref<!tpu.dma_semaphore, #tpu.memory_space<semaphore_mem>>) src(%arg8 : memref<128x128xf32, #tpu.memory_space<vmem>>) dst(%dma_wait3A_41 : memref<128x128xf32, #tpu.memory_space<hbm>>)
        tpu.yield
      }) : () -> ()
    }
    %scan3A_25 = arith.constant 5 : i32
    return
  }
}

module attributes {stable_mosaic.version = 14 : i64} {
  func.func @_prep_body(%arg0: memref<10000x128xf32, #tpu.memory_space<vmem>>, %arg1: memref<1x128xf32, #tpu.memory_space<vmem>>, %arg2: memref<10000x1xf32, #tpu.memory_space<vmem>>, %arg3: memref<10000x1xf32, #tpu.memory_space<vmem>>, %arg4: memref<10000x1xf32, #tpu.memory_space<vmem>>, %arg5: memref<10000x1xf32, #tpu.memory_space<vmem>>, %arg6: memref<10000x128xf32, #tpu.memory_space<vmem>>, %arg7: memref<10000x128xf32, #tpu.memory_space<vmem>>) attributes {dimension_semantics = [], scalar_prefetch = 0 : i64, scratch_operands = 0 : i64, tpu.core_type = #tpu.core_type<tc>} {
    %get3A = arith.constant 0 : index
    %get3A_0 = arith.constant 0 : index
    %get3A_1 = vector.load %arg3[%get3A, %get3A_0] : memref<10000x1xf32, #tpu.memory_space<vmem>>, vector<10000x1xf32>
    %get3A_2 = arith.constant 0 : index
    %get3A_3 = arith.constant 0 : index
    %get3A_4 = vector.load %arg4[%get3A_2, %get3A_3] : memref<10000x1xf32, #tpu.memory_space<vmem>>, vector<10000x1xf32>
    %add3A = arith.addf %get3A_1, %get3A_4 : vector<10000x1xf32>
    %add3A_5 = arith.constant 1.000000e+00 : f32
    %add3A_6 = vector.broadcast %add3A_5 : f32 to vector<10000x1xf32>
    %add3A_7 = arith.addf %add3A, %add3A_6 : vector<10000x1xf32>
    %rsqrt3A = math.rsqrt %add3A_7 : vector<10000x1xf32>
    %get3A_8 = arith.constant 0 : index
    %get3A_9 = arith.constant 0 : index
    %get3A_10 = vector.load %arg2[%get3A_8, %get3A_9] : memref<10000x1xf32, #tpu.memory_space<vmem>>, vector<10000x1xf32>
    %get3A_11 = arith.constant 0 : index
    %get3A_12 = arith.constant 0 : index
    %get3A_13 = vector.load %arg0[%get3A_11, %get3A_12] : memref<10000x128xf32, #tpu.memory_space<vmem>>, vector<10000x128xf32>
    %sub3A = arith.constant 1.000000e+00 : f32
    %sub3A_14 = vector.broadcast %sub3A : f32 to vector<10000x1xf32>
    %sub3A_15 = arith.subf %sub3A_14, %get3A_10 : vector<10000x1xf32>
    %mul3A = vector.broadcast %sub3A_15 : vector<10000x1xf32> to vector<10000x128xf32>
    %mul3A_16 = arith.mulf %get3A_13, %mul3A : vector<10000x128xf32>
    %get3A_17 = arith.constant 0 : index
    %get3A_18 = arith.constant 0 : index
    %get3A_19 = vector.load %arg1[%get3A_17, %get3A_18] : memref<1x128xf32, #tpu.memory_space<vmem>>, vector<1x128xf32>
    %mul3A_20 = vector.broadcast %get3A_10 : vector<10000x1xf32> to vector<10000x128xf32>
    %mul3A_21 = vector.broadcast %get3A_19 : vector<1x128xf32> to vector<10000x128xf32>
    %mul3A_22 = arith.mulf %mul3A_20, %mul3A_21 : vector<10000x128xf32>
    %add3A_23 = arith.addf %mul3A_16, %mul3A_22 : vector<10000x128xf32>
    %swap3A = arith.constant 0 : index
    %swap3A_24 = arith.constant 0 : index
    %swap3A_25 = vector.load %arg5[%swap3A, %swap3A_24] : memref<10000x1xf32, #tpu.memory_space<vmem>>, vector<10000x1xf32>
    tpu.vector_store %arg5[%swap3A, %swap3A_24], %rsqrt3A {strides = array<i32>} : memref<10000x1xf32, #tpu.memory_space<vmem>>, vector<10000x1xf32>,
    %swap3A_26 = arith.constant 0 : index
    %swap3A_27 = arith.constant 0 : index
    %swap3A_28 = vector.load %arg6[%swap3A_26, %swap3A_27] : memref<10000x128xf32, #tpu.memory_space<vmem>>, vector<10000x128xf32>
    tpu.vector_store %arg6[%swap3A_26, %swap3A_27], %add3A_23 {strides = array<i32>} : memref<10000x128xf32, #tpu.memory_space<vmem>>, vector<10000x128xf32>,
    %mul3A_29 = vector.broadcast %rsqrt3A : vector<10000x1xf32> to vector<10000x128xf32>
    %mul3A_30 = arith.mulf %add3A_23, %mul3A_29 : vector<10000x128xf32>
    %swap3A_31 = arith.constant 0 : index
    %swap3A_32 = arith.constant 0 : index
    %swap3A_33 = vector.load %arg7[%swap3A_31, %swap3A_32] : memref<10000x128xf32, #tpu.memory_space<vmem>>, vector<10000x128xf32>
    tpu.vector_store %arg7[%swap3A_31, %swap3A_32], %mul3A_30 {strides = array<i32>} : memref<10000x128xf32, #tpu.memory_space<vmem>>, vector<10000x128xf32>,
    return
  }
}

module attributes {stable_mosaic.version = 14 : i64} {
  func.func @_enc0_body(%arg0: memref<10000x128xf32, #tpu.memory_space<vmem>>, %arg1: memref<10000x128xf32, #tpu.memory_space<vmem>>, %arg2: memref<10000x128xf32, #tpu.memory_space<vmem>>, %arg3: memref<10000x1xf32, #tpu.memory_space<vmem>>, %arg4: memref<128x256xf32, #tpu.memory_space<vmem>>, %arg5: memref<1x256xf32, #tpu.memory_space<vmem>>, %arg6: memref<1x256xf32, #tpu.memory_space<vmem>>, %arg7: memref<1x256xf32, #tpu.memory_space<vmem>>, %arg8: memref<1x1xf32, #tpu.memory_space<vmem>>, %arg9: memref<256x128xf32, #tpu.memory_space<vmem>>, %arg10: memref<10000x128xf32, #tpu.memory_space<vmem>>, %arg11: memref<10000x128xf32, #tpu.memory_space<vmem>>) attributes {dimension_semantics = [], scalar_prefetch = 0 : i64, scratch_operands = 0 : i64, tpu.core_type = #tpu.core_type<tc>} {
    %get3A = arith.constant 0 : index
    %get3A_0 = arith.constant 0 : index
    %get3A_1 = vector.load %arg3[%get3A, %get3A_0] : memref<10000x1xf32, #tpu.memory_space<vmem>>, vector<10000x1xf32>
    %get3A_2 = arith.constant 0 : index
    %get3A_3 = arith.constant 0 : index
    %get3A_4 = vector.load %arg0[%get3A_2, %get3A_3] : memref<10000x128xf32, #tpu.memory_space<vmem>>, vector<10000x128xf32>
    %get3A_5 = arith.constant 0 : index
    %get3A_6 = arith.constant 0 : index
    %get3A_7 = vector.load %arg1[%get3A_5, %get3A_6] : memref<10000x128xf32, #tpu.memory_space<vmem>>, vector<10000x128xf32>
    %add3A = arith.addf %get3A_4, %get3A_7 : vector<10000x128xf32>
    %mul3A = vector.broadcast %get3A_1 : vector<10000x1xf32> to vector<10000x128xf32>
    %mul3A_8 = arith.mulf %mul3A, %add3A : vector<10000x128xf32>
    %mul3A_9 = arith.mulf %get3A_1, %get3A_1 : vector<10000x1xf32>
    %get3A_10 = arith.constant 0 : index
    %get3A_11 = arith.constant 0 : index
    %get3A_12 = vector.load %arg2[%get3A_10, %get3A_11] : memref<10000x128xf32, #tpu.memory_space<vmem>>, vector<10000x128xf32>
    %mul3A_13 = vector.broadcast %mul3A_9 : vector<10000x1xf32> to vector<10000x128xf32>
    %mul3A_14 = arith.mulf %mul3A_13, %get3A_12 : vector<10000x128xf32>
    %add3A_15 = arith.addf %mul3A_8, %mul3A_14 : vector<10000x128xf32>
    %get3A_16 = arith.constant 0 : index
    %get3A_17 = arith.constant 0 : index
    %get3A_18 = vector.load %arg4[%get3A_16, %get3A_17] : memref<128x256xf32, #tpu.memory_space<vmem>>, vector<128x256xf32>
    %dot_general3A = arith.constant dense<0.000000e+00> : vector<10000x256xf32>
    %dot_general3A_19 = tpu.matmul %add3A_15, %get3A_18, %dot_general3A {dimension_numbers = #tpu.dot_dimension_numbers<[1], [0], [0], [1], [0, 0, 1, 1], [], []>, transpose_lhs_hint = false} : vector<10000x128xf32>, vector<128x256xf32>, vector<10000x256xf32> -> vector<10000x256xf32>
    %get3A_20 = arith.constant 0 : index
    %get3A_21 = arith.constant 0 : index
    %get3A_22 = vector.load %arg5[%get3A_20, %get3A_21] : memref<1x256xf32, #tpu.memory_space<vmem>>, vector<1x256xf32>
    %add3A_23 = vector.broadcast %get3A_22 : vector<1x256xf32> to vector<10000x256xf32>
    %add3A_24 = arith.addf %dot_general3A_19, %add3A_23 : vector<10000x256xf32>
    %reduce_sum3A = arith.constant dense<0.000000e+00> : vector<256xf32>
    %reduce_sum3A_25 = vector.multi_reduction <add>, %add3A_24, %reduce_sum3A [0] : vector<10000x256xf32> to vector<256xf32>
    %broadcast_in_dim3A = vector.shape_cast %reduce_sum3A_25 : vector<256xf32> to vector<1x256xf32>
    %div3A = arith.constant 1.000000e+04 : f32
    %div3A_26 = vector.broadcast %div3A : f32 to vector<1x256xf32>
    %div3A_27 = arith.divf %broadcast_in_dim3A, %div3A_26 : vector<1x256xf32>
    %sub3A = vector.broadcast %div3A_27 : vector<1x256xf32> to vector<10000x256xf32>
    %sub3A_28 = arith.subf %add3A_24, %sub3A : vector<10000x256xf32>
    %mul3A_29 = arith.mulf %sub3A_28, %sub3A_28 : vector<10000x256xf32>
    %reduce_sum3A_30 = arith.constant dense<0.000000e+00> : vector<256xf32>
    %reduce_sum3A_31 = vector.multi_reduction <add>, %mul3A_29, %reduce_sum3A_30 [0] : vector<10000x256xf32> to vector<256xf32>
    %broadcast_in_dim3A_32 = vector.shape_cast %reduce_sum3A_31 : vector<256xf32> to vector<1x256xf32>
    %div3A_33 = arith.constant 1.000000e+04 : f32
    %div3A_34 = vector.broadcast %div3A_33 : f32 to vector<1x256xf32>
    %div3A_35 = arith.divf %broadcast_in_dim3A_32, %div3A_34 : vector<1x256xf32>
    %get3A_36 = arith.constant 0 : index
    %get3A_37 = arith.constant 0 : index
    %get3A_38 = vector.load %arg6[%get3A_36, %get3A_37] : memref<1x256xf32, #tpu.memory_space<vmem>>, vector<1x256xf32>
    %mul3A_39 = vector.broadcast %get3A_38 : vector<1x256xf32> to vector<10000x256xf32>
    %mul3A_40 = arith.mulf %mul3A_39, %sub3A_28 : vector<10000x256xf32>
    %add3A_41 = arith.constant 9.99999974E-6 : f32
    %add3A_42 = vector.broadcast %add3A_41 : f32 to vector<1x256xf32>
    %add3A_43 = arith.addf %div3A_35, %add3A_42 : vector<1x256xf32>
    %rsqrt3A = math.rsqrt %add3A_43 : vector<1x256xf32>
    %mul3A_44 = vector.broadcast %rsqrt3A : vector<1x256xf32> to vector<10000x256xf32>
    %mul3A_45 = arith.mulf %mul3A_40, %mul3A_44 : vector<10000x256xf32>
    %get3A_46 = arith.constant 0 : index
    %get3A_47 = arith.constant 0 : index
    %get3A_48 = vector.load %arg7[%get3A_46, %get3A_47] : memref<1x256xf32, #tpu.memory_space<vmem>>, vector<1x256xf32>
    %add3A_49 = vector.broadcast %get3A_48 : vector<1x256xf32> to vector<10000x256xf32>
    %add3A_50 = arith.addf %mul3A_45, %add3A_49 : vector<10000x256xf32>
    %ge3A = arith.constant 0.000000e+00 : f32
    %ge3A_51 = vector.broadcast %ge3A : f32 to vector<10000x256xf32>
    %ge3A_52 = arith.cmpf oge, %add3A_50, %ge3A_51 : vector<10000x256xf32>
    %get3A_53 = arith.constant 0 : index
    %get3A_54 = arith.constant 0 : index
    %get3A_55 = vector.load %arg8[%get3A_53, %get3A_54] : memref<1x1xf32, #tpu.memory_space<vmem>>, vector<1x1xf32>
    %mul3A_56 = vector.broadcast %get3A_55 : vector<1x1xf32> to vector<10000x256xf32>
    %mul3A_57 = arith.mulf %mul3A_56, %add3A_50 : vector<10000x256xf32>
    %select_n3A = arith.select %ge3A_52, %add3A_50, %mul3A_57 : vector<10000x256xi1>, vector<10000x256xf32>
    %get3A_58 = arith.constant 0 : index
    %get3A_59 = arith.constant 0 : index
    %get3A_60 = vector.load %arg9[%get3A_58, %get3A_59] : memref<256x128xf32, #tpu.memory_space<vmem>>, vector<256x128xf32>
    %dot_general3A_61 = arith.constant dense<0.000000e+00> : vector<10000x128xf32>
    %dot_general3A_62 = tpu.matmul %select_n3A, %get3A_60, %dot_general3A_61 {dimension_numbers = #tpu.dot_dimension_numbers<[1], [0], [0], [1], [0, 0, 1, 1], [], []>, transpose_lhs_hint = false} : vector<10000x256xf32>, vector<256x128xf32>, vector<10000x128xf32> -> vector<10000x128xf32>
    %swap3A = arith.constant 0 : index
    %swap3A_63 = arith.constant 0 : index
    %swap3A_64 = vector.load %arg10[%swap3A, %swap3A_63] : memref<10000x128xf32, #tpu.memory_space<vmem>>, vector<10000x128xf32>
    tpu.vector_store %arg10[%swap3A, %swap3A_63], %dot_general3A_62 {strides = array<i32>} : memref<10000x128xf32, #tpu.memory_space<vmem>>, vector<10000x128xf32>,
    %mul3A_65 = vector.broadcast %get3A_1 : vector<10000x1xf32> to vector<10000x128xf32>
    %mul3A_66 = arith.mulf %dot_general3A_62, %mul3A_65 : vector<10000x128xf32>
    %swap3A_67 = arith.constant 0 : index
    %swap3A_68 = arith.constant 0 : index
    %swap3A_69 = vector.load %arg11[%swap3A_67, %swap3A_68] : memref<10000x128xf32, #tpu.memory_space<vmem>>, vector<10000x128xf32>
    tpu.vector_store %arg11[%swap3A_67, %swap3A_68], %mul3A_66 {strides = array<i32>} : memref<10000x128xf32, #tpu.memory_space<vmem>>, vector<10000x128xf32>,
    return
  }
}

module attributes {stable_mosaic.version = 14 : i64} {
  func.func @_enc1_body(%arg0: memref<10000x128xf32, #tpu.memory_space<vmem>>, %arg1: memref<10000x128xf32, #tpu.memory_space<vmem>>, %arg2: memref<10000x128xf32, #tpu.memory_space<vmem>>, %arg3: memref<10000x1xf32, #tpu.memory_space<vmem>>, %arg4: memref<10000x1xf32, #tpu.memory_space<vmem>>, %arg5: memref<1x128xf32, #tpu.memory_space<vmem>>, %arg6: memref<1x128xf32, #tpu.memory_space<vmem>>, %arg7: memref<1x128xf32, #tpu.memory_space<vmem>>, %arg8: memref<1x1xf32, #tpu.memory_space<vmem>>, %arg9: memref<128x128xf32, #tpu.memory_space<vmem>>, %arg10: memref<10000x128xf32, #tpu.memory_space<vmem>>, %arg11: memref<10000x128xf32, #tpu.memory_space<vmem>>) attributes {dimension_semantics = [], scalar_prefetch = 0 : i64, scratch_operands = 0 : i64, tpu.core_type = #tpu.core_type<tc>} {
    %get3A = arith.constant 0 : index
    %get3A_0 = arith.constant 0 : index
    %get3A_1 = vector.load %arg3[%get3A, %get3A_0] : memref<10000x1xf32, #tpu.memory_space<vmem>>, vector<10000x1xf32>
    %get3A_2 = arith.constant 0 : index
    %get3A_3 = arith.constant 0 : index
    %get3A_4 = vector.load %arg0[%get3A_2, %get3A_3] : memref<10000x128xf32, #tpu.memory_space<vmem>>, vector<10000x128xf32>
    %get3A_5 = arith.constant 0 : index
    %get3A_6 = arith.constant 0 : index
    %get3A_7 = vector.load %arg1[%get3A_5, %get3A_6] : memref<10000x128xf32, #tpu.memory_space<vmem>>, vector<10000x128xf32>
    %add3A = arith.addf %get3A_4, %get3A_7 : vector<10000x128xf32>
    %mul3A = vector.broadcast %get3A_1 : vector<10000x1xf32> to vector<10000x128xf32>
    %mul3A_8 = arith.mulf %mul3A, %add3A : vector<10000x128xf32>
    %mul3A_9 = arith.mulf %get3A_1, %get3A_1 : vector<10000x1xf32>
    %get3A_10 = arith.constant 0 : index
    %get3A_11 = arith.constant 0 : index
    %get3A_12 = vector.load %arg2[%get3A_10, %get3A_11] : memref<10000x128xf32, #tpu.memory_space<vmem>>, vector<10000x128xf32>
    %mul3A_13 = vector.broadcast %mul3A_9 : vector<10000x1xf32> to vector<10000x128xf32>
    %mul3A_14 = arith.mulf %mul3A_13, %get3A_12 : vector<10000x128xf32>
    %add3A_15 = arith.addf %mul3A_8, %mul3A_14 : vector<10000x128xf32>
    %get3A_16 = arith.constant 0 : index
    %get3A_17 = arith.constant 0 : index
    %get3A_18 = vector.load %arg5[%get3A_16, %get3A_17] : memref<1x128xf32, #tpu.memory_space<vmem>>, vector<1x128xf32>
    %add3A_19 = vector.broadcast %get3A_18 : vector<1x128xf32> to vector<10000x128xf32>
    %add3A_20 = arith.addf %add3A_15, %add3A_19 : vector<10000x128xf32>
    %reduce_sum3A = arith.constant dense<0.000000e+00> : vector<128xf32>
    %reduce_sum3A_21 = vector.multi_reduction <add>, %add3A_20, %reduce_sum3A [0] : vector<10000x128xf32> to vector<128xf32>
    %broadcast_in_dim3A = vector.shape_cast %reduce_sum3A_21 : vector<128xf32> to vector<1x128xf32>
    %div3A = arith.constant 1.000000e+04 : f32
    %div3A_22 = vector.broadcast %div3A : f32 to vector<1x128xf32>
    %div3A_23 = arith.divf %broadcast_in_dim3A, %div3A_22 : vector<1x128xf32>
    %sub3A = vector.broadcast %div3A_23 : vector<1x128xf32> to vector<10000x128xf32>
    %sub3A_24 = arith.subf %add3A_20, %sub3A : vector<10000x128xf32>
    %mul3A_25 = arith.mulf %sub3A_24, %sub3A_24 : vector<10000x128xf32>
    %reduce_sum3A_26 = arith.constant dense<0.000000e+00> : vector<128xf32>
    %reduce_sum3A_27 = vector.multi_reduction <add>, %mul3A_25, %reduce_sum3A_26 [0] : vector<10000x128xf32> to vector<128xf32>
    %broadcast_in_dim3A_28 = vector.shape_cast %reduce_sum3A_27 : vector<128xf32> to vector<1x128xf32>
    %div3A_29 = arith.constant 1.000000e+04 : f32
    %div3A_30 = vector.broadcast %div3A_29 : f32 to vector<1x128xf32>
    %div3A_31 = arith.divf %broadcast_in_dim3A_28, %div3A_30 : vector<1x128xf32>
    %get3A_32 = arith.constant 0 : index
    %get3A_33 = arith.constant 0 : index
    %get3A_34 = vector.load %arg6[%get3A_32, %get3A_33] : memref<1x128xf32, #tpu.memory_space<vmem>>, vector<1x128xf32>
    %mul3A_35 = vector.broadcast %get3A_34 : vector<1x128xf32> to vector<10000x128xf32>
    %mul3A_36 = arith.mulf %mul3A_35, %sub3A_24 : vector<10000x128xf32>
    %add3A_37 = arith.constant 9.99999974E-6 : f32
    %add3A_38 = vector.broadcast %add3A_37 : f32 to vector<1x128xf32>
    %add3A_39 = arith.addf %div3A_31, %add3A_38 : vector<1x128xf32>
    %rsqrt3A = math.rsqrt %add3A_39 : vector<1x128xf32>
    %mul3A_40 = vector.broadcast %rsqrt3A : vector<1x128xf32> to vector<10000x128xf32>
    %mul3A_41 = arith.mulf %mul3A_36, %mul3A_40 : vector<10000x128xf32>
    %get3A_42 = arith.constant 0 : index
    %get3A_43 = arith.constant 0 : index
    %get3A_44 = vector.load %arg7[%get3A_42, %get3A_43] : memref<1x128xf32, #tpu.memory_space<vmem>>, vector<1x128xf32>
    %add3A_45 = vector.broadcast %get3A_44 : vector<1x128xf32> to vector<10000x128xf32>
    %add3A_46 = arith.addf %mul3A_41, %add3A_45 : vector<10000x128xf32>
    %ge3A = arith.constant 0.000000e+00 : f32
    %ge3A_47 = vector.broadcast %ge3A : f32 to vector<10000x128xf32>
    %ge3A_48 = arith.cmpf oge, %add3A_46, %ge3A_47 : vector<10000x128xf32>
    %get3A_49 = arith.constant 0 : index
    %get3A_50 = arith.constant 0 : index
    %get3A_51 = vector.load %arg8[%get3A_49, %get3A_50] : memref<1x1xf32, #tpu.memory_space<vmem>>, vector<1x1xf32>
    %mul3A_52 = vector.broadcast %get3A_51 : vector<1x1xf32> to vector<10000x128xf32>
    %mul3A_53 = arith.mulf %mul3A_52, %add3A_46 : vector<10000x128xf32>
    %select_n3A = arith.select %ge3A_48, %add3A_46, %mul3A_53 : vector<10000x128xi1>, vector<10000x128xf32>
    %get3A_54 = arith.constant 0 : index
    %get3A_55 = arith.constant 0 : index
    %get3A_56 = vector.load %arg4[%get3A_54, %get3A_55] : memref<10000x1xf32, #tpu.memory_space<vmem>>, vector<10000x1xf32>
    %sub3A_57 = arith.constant 1.000000e+00 : f32
    %sub3A_58 = vector.broadcast %sub3A_57 : f32 to vector<10000x1xf32>
    %sub3A_59 = arith.subf %sub3A_58, %get3A_56 : vector<10000x1xf32>
    %mul3A_60 = vector.broadcast %sub3A_59 : vector<10000x1xf32> to vector<10000x128xf32>
    %mul3A_61 = arith.mulf %select_n3A, %mul3A_60 : vector<10000x128xf32>
    %get3A_62 = arith.constant 0 : index
    %get3A_63 = arith.constant 0 : index
    %get3A_64 = vector.load %arg9[%get3A_62, %get3A_63] : memref<128x128xf32, #tpu.memory_space<vmem>>, vector<128x128xf32>
    %dot_general3A = arith.constant dense<0.000000e+00> : vector<10000x128xf32>
    %dot_general3A_65 = tpu.matmul %mul3A_61, %get3A_64, %dot_general3A {dimension_numbers = #tpu.dot_dimension_numbers<[1], [0], [0], [1], [0, 0, 1, 1], [], []>, transpose_lhs_hint = false} : vector<10000x128xf32>, vector<128x128xf32>, vector<10000x128xf32> -> vector<10000x128xf32>
    %swap3A = arith.constant 0 : index
    %swap3A_66 = arith.constant 0 : index
    %swap3A_67 = vector.load %arg10[%swap3A, %swap3A_66] : memref<10000x128xf32, #tpu.memory_space<vmem>>, vector<10000x128xf32>
    tpu.vector_store %arg10[%swap3A, %swap3A_66], %dot_general3A_65 {strides = array<i32>} : memref<10000x128xf32, #tpu.memory_space<vmem>>, vector<10000x128xf32>,
    %mul3A_68 = vector.broadcast %get3A_1 : vector<10000x1xf32> to vector<10000x128xf32>
    %mul3A_69 = arith.mulf %dot_general3A_65, %mul3A_68 : vector<10000x128xf32>
    %swap3A_70 = arith.constant 0 : index
    %swap3A_71 = arith.constant 0 : index
    %swap3A_72 = vector.load %arg11[%swap3A_70, %swap3A_71] : memref<10000x128xf32, #tpu.memory_space<vmem>>, vector<10000x128xf32>
    tpu.vector_store %arg11[%swap3A_70, %swap3A_71], %mul3A_69 {strides = array<i32>} : memref<10000x128xf32, #tpu.memory_space<vmem>>, vector<10000x128xf32>,
    return
  }
}

module attributes {stable_mosaic.version = 14 : i64} {
  func.func @_dec_body(%arg0: memref<10000x128xf32, #tpu.memory_space<vmem>>, %arg1: memref<10000x128xf32, #tpu.memory_space<vmem>>, %arg2: memref<10000x128xf32, #tpu.memory_space<vmem>>, %arg3: memref<10000x1xf32, #tpu.memory_space<vmem>>, %arg4: memref<10000x1xf32, #tpu.memory_space<vmem>>, %arg5: memref<10000x128xf32, #tpu.memory_space<vmem>>, %arg6: memref<1x128xf32, #tpu.memory_space<vmem>>, %arg7: memref<1x128xf32, #tpu.memory_space<vmem>>, %arg8: memref<1x128xf32, #tpu.memory_space<vmem>>, %arg9: memref<1x1xf32, #tpu.memory_space<vmem>>, %arg10: memref<1x1xf32, #tpu.memory_space<vmem>>) attributes {dimension_semantics = [], scalar_prefetch = 0 : i64, scratch_operands = 0 : i64, tpu.core_type = #tpu.core_type<tc>} {
    %get3A = arith.constant 0 : index
    %get3A_0 = arith.constant 0 : index
    %get3A_1 = vector.load %arg3[%get3A, %get3A_0] : memref<10000x1xf32, #tpu.memory_space<vmem>>, vector<10000x1xf32>
    %get3A_2 = arith.constant 0 : index
    %get3A_3 = arith.constant 0 : index
    %get3A_4 = vector.load %arg0[%get3A_2, %get3A_3] : memref<10000x128xf32, #tpu.memory_space<vmem>>, vector<10000x128xf32>
    %get3A_5 = arith.constant 0 : index
    %get3A_6 = arith.constant 0 : index
    %get3A_7 = vector.load %arg1[%get3A_5, %get3A_6] : memref<10000x128xf32, #tpu.memory_space<vmem>>, vector<10000x128xf32>
    %add3A = arith.addf %get3A_4, %get3A_7 : vector<10000x128xf32>
    %mul3A = vector.broadcast %get3A_1 : vector<10000x1xf32> to vector<10000x128xf32>
    %mul3A_8 = arith.mulf %mul3A, %add3A : vector<10000x128xf32>
    %mul3A_9 = arith.mulf %get3A_1, %get3A_1 : vector<10000x1xf32>
    %get3A_10 = arith.constant 0 : index
    %get3A_11 = arith.constant 0 : index
    %get3A_12 = vector.load %arg2[%get3A_10, %get3A_11] : memref<10000x128xf32, #tpu.memory_space<vmem>>, vector<10000x128xf32>
    %mul3A_13 = vector.broadcast %mul3A_9 : vector<10000x1xf32> to vector<10000x128xf32>
    %mul3A_14 = arith.mulf %mul3A_13, %get3A_12 : vector<10000x128xf32>
    %add3A_15 = arith.addf %mul3A_8, %mul3A_14 : vector<10000x128xf32>
    %get3A_16 = arith.constant 0 : index
    %get3A_17 = arith.constant 0 : index
    %get3A_18 = vector.load %arg6[%get3A_16, %get3A_17] : memref<1x128xf32, #tpu.memory_space<vmem>>, vector<1x128xf32>
    %add3A_19 = vector.broadcast %get3A_18 : vector<1x128xf32> to vector<10000x128xf32>
    %add3A_20 = arith.addf %add3A_15, %add3A_19 : vector<10000x128xf32>
    %reduce_sum3A = arith.constant dense<0.000000e+00> : vector<128xf32>
    %reduce_sum3A_21 = vector.multi_reduction <add>, %add3A_20, %reduce_sum3A [0] : vector<10000x128xf32> to vector<128xf32>
    %broadcast_in_dim3A = vector.shape_cast %reduce_sum3A_21 : vector<128xf32> to vector<1x128xf32>
    %div3A = arith.constant 1.000000e+04 : f32
    %div3A_22 = vector.broadcast %div3A : f32 to vector<1x128xf32>
    %div3A_23 = arith.divf %broadcast_in_dim3A, %div3A_22 : vector<1x128xf32>
    %sub3A = vector.broadcast %div3A_23 : vector<1x128xf32> to vector<10000x128xf32>
    %sub3A_24 = arith.subf %add3A_20, %sub3A : vector<10000x128xf32>
    %mul3A_25 = arith.mulf %sub3A_24, %sub3A_24 : vector<10000x128xf32>
    %reduce_sum3A_26 = arith.constant dense<0.000000e+00> : vector<128xf32>
    %reduce_sum3A_27 = vector.multi_reduction <add>, %mul3A_25, %reduce_sum3A_26 [0] : vector<10000x128xf32> to vector<128xf32>
    %broadcast_in_dim3A_28 = vector.shape_cast %reduce_sum3A_27 : vector<128xf32> to vector<1x128xf32>
    %div3A_29 = arith.constant 1.000000e+04 : f32
    %div3A_30 = vector.broadcast %div3A_29 : f32 to vector<1x128xf32>
    %div3A_31 = arith.divf %broadcast_in_dim3A_28, %div3A_30 : vector<1x128xf32>
    %get3A_32 = arith.constant 0 : index
    %get3A_33 = arith.constant 0 : index
    %get3A_34 = vector.load %arg7[%get3A_32, %get3A_33] : memref<1x128xf32, #tpu.memory_space<vmem>>, vector<1x128xf32>
    %mul3A_35 = vector.broadcast %get3A_34 : vector<1x128xf32> to vector<10000x128xf32>
    %mul3A_36 = arith.mulf %mul3A_35, %sub3A_24 : vector<10000x128xf32>
    %add3A_37 = arith.constant 9.99999974E-6 : f32
    %add3A_38 = vector.broadcast %add3A_37 : f32 to vector<1x128xf32>
    %add3A_39 = arith.addf %div3A_31, %add3A_38 : vector<1x128xf32>
    %rsqrt3A = math.rsqrt %add3A_39 : vector<1x128xf32>
    %mul3A_40 = vector.broadcast %rsqrt3A : vector<1x128xf32> to vector<10000x128xf32>
    %mul3A_41 = arith.mulf %mul3A_36, %mul3A_40 : vector<10000x128xf32>
    %get3A_42 = arith.constant 0 : index
    %get3A_43 = arith.constant 0 : index
    %get3A_44 = vector.load %arg8[%get3A_42, %get3A_43] : memref<1x128xf32, #tpu.memory_space<vmem>>, vector<1x128xf32>
    %add3A_45 = vector.broadcast %get3A_44 : vector<1x128xf32> to vector<10000x128xf32>
    %add3A_46 = arith.addf %mul3A_41, %add3A_45 : vector<10000x128xf32>
    %ge3A = arith.constant 0.000000e+00 : f32
    %ge3A_47 = vector.broadcast %ge3A : f32 to vector<10000x128xf32>
    %ge3A_48 = arith.cmpf oge, %add3A_46, %ge3A_47 : vector<10000x128xf32>
    %get3A_49 = arith.constant 0 : index
    %get3A_50 = arith.constant 0 : index
    %get3A_51 = vector.load %arg9[%get3A_49, %get3A_50] : memref<1x1xf32, #tpu.memory_space<vmem>>, vector<1x1xf32>
    %mul3A_52 = vector.broadcast %get3A_51 : vector<1x1xf32> to vector<10000x128xf32>
    %mul3A_53 = arith.mulf %mul3A_52, %add3A_46 : vector<10000x128xf32>
    %select_n3A = arith.select %ge3A_48, %add3A_46, %mul3A_53 : vector<10000x128xi1>, vector<10000x128xf32>
    %get3A_54 = arith.constant 0 : index
    %get3A_55 = arith.constant 0 : index
    %get3A_56 = vector.load %arg5[%get3A_54, %get3A_55] : memref<10000x128xf32, #tpu.memory_space<vmem>>, vector<10000x128xf32>
    %mul3A_57 = arith.mulf %select_n3A, %select_n3A : vector<10000x128xf32>
    %reduce_sum3A_58 = arith.constant dense<0.000000e+00> : vector<10000xf32>
    %reduce_sum3A_59 = vector.multi_reduction <add>, %mul3A_57, %reduce_sum3A_58 [1] : vector<10000x128xf32> to vector<10000xf32>
    %broadcast_in_dim3A_60 = vector.shape_cast %reduce_sum3A_59 : vector<10000xf32> to vector<10000x1xf32>
    %sqrt3A = math.sqrt %broadcast_in_dim3A_60 : vector<10000x1xf32>
    %max3A = arith.constant 9.99999996E-13 : f32
    %max3A_61 = vector.broadcast %max3A : f32 to vector<10000x1xf32>
    %max3A_62 = arith.maximumf %sqrt3A, %max3A_61 : vector<10000x1xf32>
    %mul3A_63 = arith.mulf %get3A_56, %get3A_56 : vector<10000x128xf32>
    %reduce_sum3A_64 = arith.constant dense<0.000000e+00> : vector<10000xf32>
    %reduce_sum3A_65 = vector.multi_reduction <add>, %mul3A_63, %reduce_sum3A_64 [1] : vector<10000x128xf32> to vector<10000xf32>
    %broadcast_in_dim3A_66 = vector.shape_cast %reduce_sum3A_65 : vector<10000xf32> to vector<10000x1xf32>
    %sqrt3A_67 = math.sqrt %broadcast_in_dim3A_66 : vector<10000x1xf32>
    %max3A_68 = arith.constant 9.99999996E-13 : f32
    %max3A_69 = vector.broadcast %max3A_68 : f32 to vector<10000x1xf32>
    %max3A_70 = arith.maximumf %sqrt3A_67, %max3A_69 : vector<10000x1xf32>
    %div3A_71 = vector.broadcast %max3A_62 : vector<10000x1xf32> to vector<10000x128xf32>
    %div3A_72 = arith.divf %select_n3A, %div3A_71 : vector<10000x128xf32>
    %div3A_73 = vector.broadcast %max3A_70 : vector<10000x1xf32> to vector<10000x128xf32>
    %div3A_74 = arith.divf %get3A_56, %div3A_73 : vector<10000x128xf32>
    %mul3A_75 = arith.mulf %div3A_72, %div3A_74 : vector<10000x128xf32>
    %reduce_sum3A_76 = arith.constant dense<0.000000e+00> : vector<10000xf32>
    %reduce_sum3A_77 = vector.multi_reduction <add>, %mul3A_75, %reduce_sum3A_76 [1] : vector<10000x128xf32> to vector<10000xf32>
    %broadcast_in_dim3A_78 = vector.shape_cast %reduce_sum3A_77 : vector<10000xf32> to vector<10000x1xf32>
    %get3A_79 = arith.constant 0 : index
    %get3A_80 = arith.constant 0 : index
    %get3A_81 = vector.load %arg4[%get3A_79, %get3A_80] : memref<10000x1xf32, #tpu.memory_space<vmem>>, vector<10000x1xf32>
    %sub3A_82 = arith.constant 1.000000e+00 : f32
    %sub3A_83 = vector.broadcast %sub3A_82 : f32 to vector<10000x1xf32>
    %sub3A_84 = arith.subf %sub3A_83, %broadcast_in_dim3A_78 : vector<10000x1xf32>
    %mul3A_85 = arith.mulf %get3A_81, %sub3A_84 : vector<10000x1xf32>
    %reduce_sum3A_86 = vector.shape_cast %mul3A_85 : vector<10000x1xf32> to vector<1x10000x1xf32>
    %reduce_sum3A_87 = arith.constant dense<0.000000e+00> : vector<1xf32>
    %reduce_sum3A_88 = vector.multi_reduction <add>, %reduce_sum3A_86, %reduce_sum3A_87 [1, 2] : vector<1x10000x1xf32> to vector<1xf32>
    %reduce_sum3A_89 = vector.shape_cast %reduce_sum3A_88 : vector<1xf32> to vector<1x1x1xf32>
    %reduce_sum3A_90 = vector.extract %reduce_sum3A_89[0, 0, 0] : f32 from vector<1x1x1xf32>
    %mul3A_91 = arith.constant 2.000000e-04 : f32
    %mul3A_92 = arith.mulf %reduce_sum3A_90, %mul3A_91 : f32
    %reshape3A = vector.broadcast %mul3A_92 : f32 to vector<1x1xf32>
    %swap3A = arith.constant 0 : index
    %swap3A_93 = arith.constant 0 : index
    %swap3A_94 = vector.load %arg10[%swap3A, %swap3A_93] : memref<1x1xf32, #tpu.memory_space<vmem>>, vector<1x1xf32>
    tpu.vector_store %arg10[%swap3A, %swap3A_93], %reshape3A {strides = array<i32>} : memref<1x1xf32, #tpu.memory_space<vmem>>, vector<1x1xf32>,
    return
  }
}

</mosaic_0001>

<sc_bundles>
// kernel: kernel.10.cloned.1.call-start
scs
__scs_entry_jumppad:
0x0: {  	(pc) =	sbr.rel $0x88, $3  }
0x1: {  	(tag) =	ssettag $0x0;
	lr =	simm.s32 $0x1  }
0x2: {  	[smem:$0x3F8F] =	sst lr;
	_ =	strace $0xD0000000  }
0x3: {  	_ = 	snop  }
0x4: {  	_ = 	snop  }
0x5: {  	_ = 	snop  }
0x6: {  	_ = 	snop  }
0x7: {  	_ = 	snop  }
__scs_overlays_trampoline_lowered:
0x8: {  	[smem:$0x3F9E] =	sst s0  }
0x9: {  	[smem:$0x3F9F] =	sst s1  }
0xa: {  	[smem:$0x3FA0] =	sst s2  }
0xb: {  	[smem:$0x3FA1] =	sst s3  }
0xc: {  	[smem:$0x3FA2] =	sst s4  }
0xd: {  	[smem:$0x3FA3] =	sst s5  }
0xe: {  	[smem:$0x3FA4] =	sst s6  }
0xf: {  	[smem:$0x3FA5] =	sst s7  }
0x10: {  	[smem:$0x3FA6] =	sst s8  }
0x11: {  	[smem:$0x3FA7] =	sst s9;
	s0 =	simm.s32 @!p0 $0x0  }
0x12: {  	s1 =	sld [smem:$0x3F8D];
	s0 =	simm.s32 @p0 $0x1  }
0x13: {  	[smem:$0x3FA8] =	sst s0;
	s0 =	simm.s32 @!p1 $0x0  }
0x14: {  	s2 =	sld [smem:$0x3F8C];
	s0 =	simm.s32 @p1 $0x1  }
0x15: {  	[smem:$0x3FA9] =	sst s0;
	s0 =	simm.s32 @!p2 $0x0  }
0x16: {  	s3 =	sld [smem:$0x3FDB];
	s0 =	simm.s32 @p2 $0x1  }
0x17: {  	s4 =	simm.s32 $0x1BF5;
	[smem:$0x3FAB] =	sst s0  }
0x18: {  	s0 =	sld [smem:$0x3F8E];
	_ =	swait.ge [sflag:s4], $0x0  }
0x19: {  	s7 =	sld [smem:$0x3F8F]  }
0x1a: {  	s8 =	sadd.s32 $0xFFFFE003, lr  }
0x1b: {  	s9 =	sadd.s32 $0xFFFFFEF7, lr;
	s5 =	simm.s32 $0xFFFFFFFF;
	p2 =	slt.u32 s8, $0xFFFFF086  }
0x1c: {  	p1 =	slt.u32 s9, $0xF7A;
	s5 =	simm.s32 @!p2 $0x0  }
0x1d: {  	s5 =	simm.s32 @p1 $0x1;
	p0 =	seq.s32 s7, s2  }
0x1e: {  	s7 =	smul.u32 @!p0 $0xF7A, s2;
	p2 =	seq.s32 @!p0 s5, $0x0  }
0x1f: {  	s9 =	smul.u32 $0xF7A, s1;
	s8 =	simm.s32 @!p0 $0x1BF5;
	p2 =	por !p2, p0  }
0x20: {  	[sflag:s8] =	ssyncset.s32 @!p0 $0xFFFFF086;
	s6 =	sadd.s32 @!p0 s3, s7;
	s7 =	simm.s32 @!p0 $0x108  }
0x21: {  	s3 =	sadd.s32 s3, s9;
	s6 =	sadd.s32 @!p0 $0x88, s6;
	s7 =	simm.s32 @p2 $0x1082  }
0x22: {  	[simem:s7], [sflag:s8] =	dma.local @!p0 [hbm:s6], $0xF7A  }
0x23: {  	s9 =	sor.u32 $0xD0000000, s2;
	s6 =	simm.s32 $0x108;
	_ =	swait.ge @!p0 [sflag:s8], $0x0  }
0x24: {  	s3 =	sadd.s32 $0x88, s3;
	s6 =	simm.s32 @!p1 $0x1082;
	[sflag:s4] =	ssyncset.s32 $0xFFFFF086  }
0x25: {  	[simem:s6], [sflag:s4] =	dma.local [hbm:s3], $0xF7A  }
0x26: {  	[smem:$0x3F8F] =	sst s1;
	(tag) =	ssettag s2;
	_ =	strace s9  }
0x27: {  	s1 =	sld [smem:$0x3F9F]  }
0x28: {  	s2 =	sld [smem:$0x3FA0]  }
0x29: {  	s4 =	sld [smem:$0x3FA2]  }
0x2a: {  	p0 =	seq.s32 s5, $0x0;
	s5 =	sld [smem:$0x3FA3]  }
0x2b: {  	s6 =	sld [smem:$0x3FA4]  }
0x2c: {  	s7 =	sld [smem:$0x3FA5]  }
0x2d: {  	s3 =	simm.s32 $0x108;
	s8 =	sld [smem:$0x3FA6]  }
0x2e: {  	s3 =	simm.s32 @!p0 $0x1082;
	s9 =	sld [smem:$0x3FA7]  }
0x2f: {  	lr =	sadd.s32 s0, s3;
	s0 =	sld [smem:$0x3F9E]  }
0x30: {  	s3 =	sld [smem:$0x3FA1]  }
0x31: {  	[smem:$0x3FAA] =	sst s10  }
0x32: {  	s10 =	sld [smem:$0x3FA8];
	_ =	sdelay $0x3  }
0x33: {  	p0 =	seq.s32 s10, $0x1;
	s10 =	sld [smem:$0x3FAA];
	_ =	sdelay $0x3  }
0x34: {  	[smem:$0x3FAA] =	sst s10  }
0x35: {  	s10 =	sld [smem:$0x3FA9];
	_ =	sdelay $0x3  }
0x36: {  	p1 =	seq.s32 s10, $0x1;
	s10 =	sld [smem:$0x3FAA];
	_ =	sdelay $0x3  }
0x37: {  	[smem:$0x3FAA] =	sst s10  }
0x38: {  	s10 =	sld [smem:$0x3FAB]  }
0x39: {  	_ = 	snop;
	(pc) =	sbr.ind lr, $3  }
0x3a: {  	_ = 	snop  }
0x3b: {  	_ = 	snop  }
0x3c: {  	p2 =	seq.s32 s10, $0x1;
	s10 =	sld [smem:$0x3FAA]  }
0x3d: {  	_ =	shalt  }
0x3e: {  	_ =	shalt  }
0x3f: {  	_ =	shalt  }
0x40: {  	_ =	shalt  }
0x41: {  	_ =	shalt  }
0x42: {  	_ =	shalt  }
0x43: {  	_ =	shalt  }
0x44: {  	_ =	shalt  }
0x45: {  	_ =	shalt  }
0x46: {  	_ =	shalt  }
0x47: {  	_ =	shalt  }
0x48: {  	_ =	shalt  }
0x49: {  	_ =	shalt  }
0x4a: {  	_ =	shalt  }
0x4b: {  	_ =	shalt  }
0x4c: {  	_ =	shalt  }
0x4d: {  	_ =	shalt  }
0x4e: {  	_ =	shalt  }
0x4f: {  	_ =	shalt  }
0x50: {  	_ =	shalt  }
0x51: {  	_ =	shalt  }
0x52: {  	_ =	shalt  }
0x53: {  	_ =	shalt  }
0x54: {  	_ =	shalt  }
0x55: {  	_ =	shalt  }
0x56: {  	_ =	shalt  }
0x57: {  	_ =	shalt  }
0x58: {  	_ =	shalt  }
0x59: {  	_ =	shalt  }
0x5a: {  	_ =	shalt  }
0x5b: {  	_ =	shalt  }
0x5c: {  	_ =	shalt  }
0x5d: {  	_ =	shalt  }
0x5e: {  	_ =	shalt  }
0x5f: {  	_ =	shalt  }
0x60: {  	_ =	shalt  }
0x61: {  	_ =	shalt  }
0x62: {  	_ =	shalt  }
0x63: {  	_ =	shalt  }
0x64: {  	_ =	shalt  }
0x65: {  	_ =	shalt  }
0x66: {  	_ =	shalt  }
0x67: {  	_ =	shalt  }
0x68: {  	_ =	shalt  }
0x69: {  	_ =	shalt  }
0x6a: {  	_ =	shalt  }
0x6b: {  	_ =	shalt  }
0x6c: {  	_ =	shalt  }
0x6d: {  	_ =	shalt  }
0x6e: {  	_ =	shalt  }
0x6f: {  	_ =	shalt  }
0x70: {  	_ =	shalt  }
0x71: {  	_ =	shalt  }
0x72: {  	_ =	shalt  }
0x73: {  	_ =	shalt  }
0x74: {  	_ =	shalt  }
0x75: {  	_ =	shalt  }
0x76: {  	_ =	shalt  }
0x77: {  	_ =	shalt  }
0x78: {  	_ =	shalt  }
0x79: {  	_ =	shalt  }
0x7a: {  	_ =	shalt  }
0x7b: {  	_ =	shalt  }
0x7c: {  	_ =	shalt  }
0x7d: {  	_ =	shalt  }
0x7e: {  	_ =	shalt  }
0x7f: {  	_ =	shalt  }
0x80: {  	_ =	shalt  }
0x81: {  	_ =	shalt  }
0x82: {  	_ =	shalt  }
0x83: {  	_ =	shalt  }
0x84: {  	_ =	shalt  }
0x85: {  	_ =	shalt  }
0x86: {  	_ =	shalt  }
0x87: {  	_ =	shalt  }
.Lfunc_end0:
.L_simem_size_0:
called_computation_lowered:
.L_overlay_start_0:
0x88: {  	s2 =	sld [smem:$0x3FD9]  }
0x89: {  	s3 =	sld [smem:$0x3FFE];
	_ =	sdelay $0x1  }
0x8a: {  	s1 =	srdreg.scid  }
0x8b: {  	s0 =	sand.u32 $0x1, s1  }
0x8c: {  	s16 =	sshll.u32 s0, $0xA;
	s2 =	sadd.s32 s3, s2  }
0x8d: {  	s2 =	sadd.s32 s2, s16  }
0x8e: {  	[smem:$0x3FB6] =	sst s2  }
0x8f: {  	_ = 	snop  }
0x90: {  	(tm) =	ssettm $0x1  }
0x91: {  	s17 =	sld [smem:$0x3FFB];
	_ =	sdelay $0x3  }
0x92: {  	_ =	strace s17  }
0x93: {  	s2 =	sld [smem:$0x3FFC];
	_ =	sdelay $0x3  }
0x94: {  	_ =	strace s2  }
0x95: {  	s2 =	sld [smem:$0x3FFD];
	_ =	sdelay $0x3  }
0x96: {  	_ =	strace s2  }
0x97: {  	_ =	strace $0x8FFFFFFF  }
0x98: {  	s18 =	sld [smem:$0x3FDB];
	_ =	sdelay $0x1  }
0x99: {  	s19 =	simm.s32 $_scs_section_size  }
0x9a: {  	s4 =	simm.s32 $_size__tile_overlayer_lowered;
	s5 =	simm.s32 $_tile_overlayer_lowered  }
0x9b: {  	s22 =	simm.s32 $0x1BFF;
	s21 =	sshll.u32 s5, $0x1;
	s2 =	sadd.s32 s19, s18  }
0x9c: {  	s6 =	simm.s32 $0x0;
	s20 =	sshll.u32 s4, $0x1;
	s4 =	sadd.s32 s21, s2  }
0x9d: {  	[timem:s6], [sflag:s22] =	dma.local [hbm:s4], s20  }
0x9e: {  	_ =	swait.ge [sflag:s22], s20  }
0x9f: {  	s3 =	ssub.s32 $0x0, s20;
	[sflag:s22] =	ssyncset.done $0x0  }
0xa0: {  	[sflag:s22] =	ssyncadd.s32 s3;
	_ =	sdelay $0x1  }
0xa1: {  	s23 =	simm.s32 $0x1B8B  }
0xa2: {  	_ =	swait.ge [sflag:s23], $0x1  }
0xa3: {  	[sflag:s23] =	ssyncset.done $0x0  }
0xa4: {  	s25 =	simm.s32 $0x1B8E;
	s24 =	sld [smem:$0x3FFE];
	[sflag:s23] =	ssyncadd.s32 $0xFFFFFFFF  }
0xa5: {  	s26 =	simm.s32 $execute0_lowered;
	[smem:$0x3FD2] =	sst s25  }
0xa6: {  	s4 =	sshll.u32 s26, $0x1;
	_ =	strace $0x80000046;
	[dreg:$0x1] =	wrdreg $0xFFFFFFFF  }
0xa7: {  	s28 =	simm.s32 $_size_execute0_lowered;
	s2 =	sadd.s32 s2, s4;
	[dreg:$0x0] =	wrdreg $0x0  }
0xa8: {  	s4 =	sshll.u32 s28, $0x1;
	[dreg:$0x2] =	wrdreg s2  }
0xa9: {  	[dreg:$0x3] =	wrdreg s4  }
0xaa: {  	[dreg:$0x4] =	wrdreg $0xC0  }
0xab: {  	_ =	task [dreg:s6], $0x5FFFF  }
0xac: {  	[dreg:$0x1] =	wrdreg $0xFFFFFFFF  }
0xad: {  	[dreg:$0x0] =	wrdreg $0x60  }
0xae: {  	[dreg:$0x2] =	wrdreg s24  }
0xaf: {  	[dreg:$0x3] =	wrdreg $0xA8000  }
0xb0: {  	[dreg:$0x4] =	wrdreg $0x9  }
0xb1: {  	_ =	task.clear_ibuf [dreg:s6], $0x5FFFF;
	_ =	strace $0x90000046  }
0xb2: {  	s29 =	simm.s32 $0x9;
	_ =	strace $0x80000048  }
0xb3: {  	_ =	swait.ge [sflag:s29], $0x1  }
0xb4: {  	[sflag:s29] =	ssyncadd.s32 $0xFFFFFFFF  }
0xb5: {  	_ =	strace $0x90000048  }
0xb6: {  	_ =	sfence  }
0xb7: {  	s30 =	sld [smem:$0x0];
	_ =	sdelay $0x2  }
0xb8: {  	s31 =	sshll.u32 s1, $0xD;
	s1 =	sshrl.u32 s1, $0x2  }
0xb9: {  	s3 =	sand.u32 $0x4000, s31;
	s1 =	sadd.s32 s1, s30  }
0xba: {  	s0 =	sor.u32 s3, s0;
	s1 =	sshll.u32 s1, $0x11  }
0xbb: {  	s0 =	sor.u32 s1, s0  }
0xbc: {  	s0 =	sadd.s32 $0x8F2B, s0  }
0xbd: {  	[sflag:s0] =	ssyncadd.remote.s32 $0x1  }
0xbe: {  	_ =	sfence.sel $0xFFFF  }
0xbf: {  	[dreg:$0x0] =	wrdreg $0xFFFFFFFF;
	(pc) =	sbr.abs _section_cstart, $3  }
0xc0: {  	[dreg:$0x1] =	wrdreg $0xFFFFFFFF  }
0xc1: {  	_ =	task.clear_ibuf [dreg:s6], $0x2FFFF;
	_ =	strace $0x9FFFFFFF  }
0xc2: {  	(tm) =	ssettm $0x7FFFFFFF  }
0xc3: {  	_ =	shalt  }
tec
execute0_lowered:
.L_overlay_start_1:
0x0: {  	(tag) =	ssettag $0x1  }
0x1: {  	s0 =	srdreg.scid;
	s4 =	rddreg [dreg:$0x0]  }
0x2: {  	s2 =	rddreg [dreg:$0x1];
	s1 =	stileid.u32;
	s3 =	simm.s32 $0x0  }
0x3: {  	s22 =	simm.s32 $0x80;
	s23 =	simm.s32 $0x2800;
	s24 =	simm.s32 $0x0  }
0x4: {  	s5 =	sand.u32 $0x1, s0;
	s0 =	rddreg [dreg:$0x2];
	s8 =	smul.u32 $0x50000, s1  }
0x5: {  	[smem:$0x7FF] =	sst s3;
	s19 =	sadd.s32 $0xE800, s4;
	s16 =	smul.u32 $0x14000, s1  }
0x6: {  	s6 =	sshll.u32 s5, $0x4;
	_ =	strace $0x80000047;
	s7 =	ssub.s32 $0x2, s5  }
0x7: {  	s17 =	smul.u32 $0x140000, s5;
	s6 =	sor.u32 s1, s6;
	s28 =	sshrl.u32 s7, $0x1  }
0x8: {  	s29 =	sshrl.u32 s8, $0x2;
	s12 =	sadd.s32 $0x4000, s16;
	s14 =	sadd.s32 $0x8000, s16  }
0x9: {  	s18 =	sadd.s32 $0xC000, s16;
	s21 =	sadd.s32 $0x10000, s16;
	s6 =	smul.u32 $0x500, s6  }
0xa: {  	s7 =	ssub.s32 s7, s28;
	s11 =	sadd.s32 s17, s16;
	s13 =	sadd.s32 s17, s12  }
0xb: {  	s12 =	sadd.s32 s12, s2;
	s15 =	sadd.s32 s17, s14;
	s14 =	sadd.s32 s14, s2  }
0xc: {  	s20 =	sadd.s32 s17, s18;
	s16 =	sadd.s32 s18, s2;
	s31 =	sadd.s32 s17, s21  }
0xd: {  	s18 =	sadd.s32 s21, s2;
	s21 =	simm.s32 $0x1;
	s11 =	sshrl.u32 s11, $0x3  }
0xe: {  	s13 =	sshrl.u32 s13, $0x3;
	s15 =	sshrl.u32 s15, $0x3;
	s30 =	sshrl.u32 s20, $0x3  }
0xf: {  	s20 =	sshrl.u32 s31, $0x3;
	s6 =	sadd.s32 s6, s4;
	s4 =	sadd.s32 s29, s2  }
0x10: {  	s11 =	sadd.s32 s19, s11;
	s13 =	sadd.s32 s19, s13;
	s15 =	sadd.s32 s19, s15  }
0x11: {  	s17 =	sadd.s32 s19, s30;
	s19 =	sadd.s32 s19, s20;
	s20 =	simm.s32 $0x6800  }
0x12: {  	s5 =	sadd.s32 $0x4800, s6;
	s6 =	smax.u32 s7, $0x1;
	s7 =	sadd.s32 $0x4000, s4  }
0x13: {  	v0 =	vimm.f32 $1.000000000e+00;
	v1 =	vimm.f32 $0.0e+00;
	s8 =	sadd.s32 $0x8000, s4;
	s9 =	sadd.s32 $0xC000, s4;
	s10 =	sadd.s32 $0x10000, s4  }
.LBB2_1:
0x14: {  	s25 =	simm.s32 $0x0  }
.LBB2_2:
0x15: {  	p0 =	sne.s32 s25, $0xFE00  }
.Ltmp0:
0x16: {  	_ = 	snop;
	(pc) =	sbr.rel @p0 .LBB2_2-.Ltmp0, $3  }
0x17: {  	_ =	sdelay $0x1  }
0x18: {  	s26 =	sshra.s32 s25, $0x2  }
0x19: {  	s25 =	sadd.s32 $0x200, s25;
	[tilespmem:s26+$0x2800] =	vst v0  }
0x1a: {  	s25 =	simm.s32 $0x200;
	s26 =	simm.s32 $0x0  }
.LBB2_4:
0x1b: {  	p0 =	sne.s32 s25, $0xFE00;
	[tilespmem:s26+$0x6800] =	vst v1;
	s26 =	smov.u32 s25;
	s25 =	sadd.s32 $0x200, s25  }
.Ltmp1:
0x1c: {  	(pc) =	sbr.rel @p0 .LBB2_4-.Ltmp1, $2  }
0x1d: {  	_ =	sdelay $0x2  }
0x1e: {  	s26 =	sshra.s32 s26, $0x2  }
0x1f: {  	[tilespmem:s26+$0x6800] =	vst v1  }
0x20: {  	[spmem:s4] =	stream.linear.scatter [tilespmem:s20], [sflag:$0x1], $0x4000, $0x38;
	[tilespmem:$0xD000] =	vst v63  }
0x21: {  	_ =	swait.ge [sflag:s21], $0x4000  }
0x22: {  	[sflag:s21] =	ssyncset.done $0x0  }
0x23: {  	[sflag:s21] =	ssyncadd.s32 $0xFFFFC000  }
0x24: {  	[spmem:s7] =	stream.linear.scatter [tilespmem:s20], [sflag:$0x1], $0x4000, $0x38;
	[tilespmem:$0xD000] =	vst v63  }
0x25: {  	_ =	swait.ge [sflag:s21], $0x4000  }
0x26: {  	[sflag:s21] =	ssyncset.done $0x0  }
0x27: {  	[sflag:s21] =	ssyncadd.s32 $0xFFFFC000  }
0x28: {  	[spmem:s8] =	stream.linear.scatter [tilespmem:s20], [sflag:$0x1], $0x4000, $0x38;
	[tilespmem:$0xD000] =	vst v63  }
0x29: {  	_ =	swait.ge [sflag:s21], $0x4000  }
0x2a: {  	[sflag:s21] =	ssyncset.done $0x0  }
0x2b: {  	[sflag:s21] =	ssyncadd.s32 $0xFFFFC000  }
0x2c: {  	[spmem:s9] =	stream.linear.scatter [tilespmem:s20], [sflag:$0x1], $0x4000, $0x38;
	[tilespmem:$0xD000] =	vst v63  }
0x2d: {  	_ =	swait.ge [sflag:s21], $0x4000  }
0x2e: {  	[sflag:s21] =	ssyncset.done $0x0  }
0x2f: {  	[sflag:s21] =	ssyncadd.s32 $0xFFFFC000  }
0x30: {  	[spmem:s10] =	stream.linear.scatter [tilespmem:s20], [sflag:$0x1], $0x4000, $0x38;
	[tilespmem:$0xD000] =	vst v63  }
0x31: {  	_ =	swait.ge [sflag:s21], $0x4000  }
0x32: {  	[sflag:s21] =	ssyncset.done $0x0  }
0x33: {  	[sflag:s21] =	ssyncadd.s32 $0xFFFFC000  }
0x34: {  	s25 =	simm.s32 $0x0;
	[bflag:$0x0] =	sbarrier.arrive $0xFFFF  }
0x35: {  	[tilespmem:s25], [sflag:$0x1] =	stream.linear.gather [hbm4b:s5+s25], $0x2780, $0x38;
	[tilespmem:$0xD000] =	vst v63  }
0x36: {  	_ =	swait.ge [sflag:s21], $0x2780  }
0x37: {  	[sflag:s21] =	ssyncset.done $0x0  }
0x38: {  	s31 =	simm.s32 $0x0;
	[sflag:s21] =	ssyncadd.s32 $0xFFFFD880  }
0x39: {  	[spmem:s2] =	stream.indirect.scatter.add.f32 [tilespmem:s23], [sflag:$0x1], $0x10, s31, s22, $0xb8;
	[tilespmem:$0xD000] =	vst v63  }
0x3a: {  	_ =	swait.ge [sflag:s21], $0x800  }
0x3b: {  	s25 =	simm.s32 $0x200;
	[sflag:s21] =	ssyncset.done $0x0  }
.LBB2_6:
0x3c: {  	s26 =	sshra.s32 s25, $0x2;
	[sflag:s21] =	ssyncadd.s32 $0xFFFFF800;
	p0 =	sne.s32 s25, $0x9C00  }
0x3d: {  	[spmem:s2] =	stream.indirect.scatter.add.f32 [tilespmem:s23], [sflag:$0x1], $0x10, s26, s22, $0xb8;
	[tilespmem:$0xD000] =	vst v63  }
.Ltmp2:
0x3e: {  	_ = 	snop;
	(pc) =	sbr.rel @p0 .LBB2_6-.Ltmp2, $4  }
0x3f: {  	_ = 	snop  }
0x40: {  	s25 =	sadd.s32 $0x200, s25  }
0x41: {  	_ =	swait.ge [sflag:s21], $0x800  }
0x42: {  	[sflag:s21] =	ssyncset.done $0x0  }
0x43: {  	[sflag:s21] =	ssyncadd.s32 $0xFFFFF800  }
0x44: {  	[bflag:$0x0] =	sbarrier.arrive $0xFFFF  }
0x45: {  	[tilespmem:s23], [sflag:$0x1] =	stream.linear.gather [spmem:s4], $0x4000, $0x38;
	[tilespmem:$0xD000] =	vst v63  }
0x46: {  	_ =	swait.ge [sflag:s21], $0x4000  }
0x47: {  	[sflag:s21] =	ssyncset.done $0x0  }
0x48: {  	[sflag:s21] =	ssyncadd.s32 $0xFFFFC000  }
0x49: {  	[hbm4b:s11+s3] =	stream.linear.scatter [tilespmem:s23], [sflag:$0x1], $0x4000, $0x38;
	[tilespmem:$0xD000] =	vst v63  }
0x4a: {  	_ =	swait.ge [sflag:s21], $0x4000  }
0x4b: {  	[sflag:s21] =	ssyncset.done $0x0  }
0x4c: {  	[sflag:s21] =	ssyncadd.s32 $0xFFFFC000  }
0x4d: {  	[tilespmem:s23], [sflag:$0x1] =	stream.linear.gather [spmem:s12], $0x4000, $0x38;
	[tilespmem:$0xD000] =	vst v63  }
0x4e: {  	_ =	swait.ge [sflag:s21], $0x4000  }
0x4f: {  	[sflag:s21] =	ssyncset.done $0x0  }
0x50: {  	[sflag:s21] =	ssyncadd.s32 $0xFFFFC000  }
0x51: {  	[hbm4b:s13+s3] =	stream.linear.scatter [tilespmem:s23], [sflag:$0x1], $0x4000, $0x38;
	[tilespmem:$0xD000] =	vst v63  }
0x52: {  	_ =	swait.ge [sflag:s21], $0x4000  }
0x53: {  	[sflag:s21] =	ssyncset.done $0x0  }
0x54: {  	[sflag:s21] =	ssyncadd.s32 $0xFFFFC000  }
0x55: {  	[tilespmem:s23], [sflag:$0x1] =	stream.linear.gather [spmem:s14], $0x4000, $0x38;
	[tilespmem:$0xD000] =	vst v63  }
0x56: {  	_ =	swait.ge [sflag:s21], $0x4000  }
0x57: {  	[sflag:s21] =	ssyncset.done $0x0  }
0x58: {  	[sflag:s21] =	ssyncadd.s32 $0xFFFFC000  }
0x59: {  	[hbm4b:s15+s3] =	stream.linear.scatter [tilespmem:s23], [sflag:$0x1], $0x4000, $0x38;
	[tilespmem:$0xD000] =	vst v63  }
0x5a: {  	_ =	swait.ge [sflag:s21], $0x4000  }
0x5b: {  	[sflag:s21] =	ssyncset.done $0x0  }
0x5c: {  	[sflag:s21] =	ssyncadd.s32 $0xFFFFC000  }
0x5d: {  	[tilespmem:s23], [sflag:$0x1] =	stream.linear.gather [spmem:s16], $0x4000, $0x38;
	[tilespmem:$0xD000] =	vst v63  }
0x5e: {  	_ =	swait.ge [sflag:s21], $0x4000  }
0x5f: {  	[sflag:s21] =	ssyncset.done $0x0  }
0x60: {  	[sflag:s21] =	ssyncadd.s32 $0xFFFFC000  }
0x61: {  	[hbm4b:s17+s3] =	stream.linear.scatter [tilespmem:s23], [sflag:$0x1], $0x4000, $0x38;
	[tilespmem:$0xD000] =	vst v63  }
0x62: {  	_ =	swait.ge [sflag:s21], $0x4000  }
0x63: {  	[sflag:s21] =	ssyncset.done $0x0  }
0x64: {  	[sflag:s21] =	ssyncadd.s32 $0xFFFFC000  }
0x65: {  	[tilespmem:s23], [sflag:$0x1] =	stream.linear.gather [spmem:s18], $0x4000, $0x38;
	[tilespmem:$0xD000] =	vst v63  }
0x66: {  	s24 =	sadd.s32 $0x1, s24;
	_ =	swait.ge [sflag:s21], $0x4000  }
0x67: {  	p0 =	sne.s32 s24, s6;
	[sflag:s21] =	ssyncset.done $0x0  }
.Ltmp3:
0x68: {  	[sflag:s21] =	ssyncadd.s32 $0xFFFFC000;
	(pc) =	sbr.rel @p0 .LBB2_1-.Ltmp3, $4  }
0x69: {  	[hbm4b:s19+s3] =	stream.linear.scatter [tilespmem:s23], [sflag:$0x1], $0x4000, $0x38;
	[tilespmem:$0xD000] =	vst v63  }
0x6a: {  	_ =	swait.ge [sflag:s21], $0x4000  }
0x6b: {  	[sflag:s21] =	ssyncset.done $0x0  }
0x6c: {  	[sflag:s21] =	ssyncadd.s32 $0xFFFFC000  }
0x6d: {  	_ =	sfence.sel $0x180000  }
0x6e: {  	[bflag:$0x0] =	sbarrier.arrive $0xFFFF  }
0x6f: {  	p0 =	sne.s32 s1, $0x0;
	_ =	strace $0x90000047  }
0x70: {  	s0 =	sadd.s32 @!p0 $0x100000, s0;
	[bflag:$0x2] =	sbarrier.arrive $0xFFFF  }
0x71: {  	[sflag:s0] =	ssyncadd.tile.s32 @!p0 $0x1;
	_ =	shalt  }
.Lfunc_end2:
_tile_overlayer_lowered:
.L_overlay_start_2:
0x72: {  	(tag) =	ssettag $0x2  }
0x73: {  	s0 =	rddreg [dreg:$0x0];
	s2 =	stileid.u32  }
0x74: {  	s1 =	rddreg [dreg:$0x1];
	p0 =	sne.s32 s2, $0x0  }
0x75: {  	s3 =	rddreg [dreg:$0x2];
	[bflag:$0x3] =	sbarrier.arrive $0xFFFF;
	s2 =	simm.s32 @!p0 $0x1C01  }
0x76: {  	[timem:s3], [sflag:s2] =	dma.local @!p0 [hbm:s0], s1  }
0x77: {  	s0 =	simm.s32 @!p0 $0x1  }
0x78: {  	_ =	swait.ge @!p0 [sflag:s0], s1  }
0x79: {  	s1 =	ssub.s32 @!p0 $0x0, s1;
	[sflag:s0] =	ssyncset.done @!p0 $0x0  }
0x7a: {  	[sflag:s0] =	ssyncadd.s32 @!p0 s1  }
0x7b: {  	[bflag:$0x3] =	sbarrier.arrive $0xFFFF  }
0x7c: {  	_ =	shalt  }

// kernel: kernel.13.cloned.1.call-start
scs
__scs_entry_jumppad:
0x0: {  	(pc) =	sbr.rel $0x88, $3  }
0x1: {  	(tag) =	ssettag $0x0;
	lr =	simm.s32 $0x1  }
0x2: {  	[smem:$0x3F8F] =	sst lr;
	_ =	strace $0xD0000000  }
0x3: {  	_ = 	snop  }
0x4: {  	_ = 	snop  }
0x5: {  	_ = 	snop  }
0x6: {  	_ = 	snop  }
0x7: {  	_ = 	snop  }
__scs_overlays_trampoline_lowered:
0x8: {  	[smem:$0x3F9E] =	sst s0  }
0x9: {  	[smem:$0x3F9F] =	sst s1  }
0xa: {  	[smem:$0x3FA0] =	sst s2  }
0xb: {  	[smem:$0x3FA1] =	sst s3  }
0xc: {  	[smem:$0x3FA2] =	sst s4  }
0xd: {  	[smem:$0x3FA3] =	sst s5  }
0xe: {  	[smem:$0x3FA4] =	sst s6  }
0xf: {  	[smem:$0x3FA5] =	sst s7  }
0x10: {  	[smem:$0x3FA6] =	sst s8  }
0x11: {  	[smem:$0x3FA7] =	sst s9;
	s0 =	simm.s32 @!p0 $0x0  }
0x12: {  	s1 =	sld [smem:$0x3F8D];
	s0 =	simm.s32 @p0 $0x1  }
0x13: {  	[smem:$0x3FA8] =	sst s0;
	s0 =	simm.s32 @!p1 $0x0  }
0x14: {  	s2 =	sld [smem:$0x3F8C];
	s0 =	simm.s32 @p1 $0x1  }
0x15: {  	[smem:$0x3FA9] =	sst s0;
	s0 =	simm.s32 @!p2 $0x0  }
0x16: {  	s3 =	sld [smem:$0x3FDB];
	s0 =	simm.s32 @p2 $0x1  }
0x17: {  	s4 =	simm.s32 $0x1BF5;
	[smem:$0x3FAB] =	sst s0  }
0x18: {  	s0 =	sld [smem:$0x3F8E];
	_ =	swait.ge [sflag:s4], $0x0  }
0x19: {  	s7 =	sld [smem:$0x3F8F]  }
0x1a: {  	s8 =	sadd.s32 $0xFFFFE003, lr  }
0x1b: {  	s9 =	sadd.s32 $0xFFFFFEF7, lr;
	s5 =	simm.s32 $0xFFFFFFFF;
	p2 =	slt.u32 s8, $0xFFFFF086  }
0x1c: {  	p1 =	slt.u32 s9, $0xF7A;
	s5 =	simm.s32 @!p2 $0x0  }
0x1d: {  	s5 =	simm.s32 @p1 $0x1;
	p0 =	seq.s32 s7, s2  }
0x1e: {  	s7 =	smul.u32 @!p0 $0xF7A, s2;
	p2 =	seq.s32 @!p0 s5, $0x0  }
0x1f: {  	s9 =	smul.u32 $0xF7A, s1;
	s8 =	simm.s32 @!p0 $0x1BF5;
	p2 =	por !p2, p0  }
0x20: {  	[sflag:s8] =	ssyncset.s32 @!p0 $0xFFFFF086;
	s6 =	sadd.s32 @!p0 s3, s7;
	s7 =	simm.s32 @!p0 $0x108  }
0x21: {  	s3 =	sadd.s32 s3, s9;
	s6 =	sadd.s32 @!p0 $0x88, s6;
	s7 =	simm.s32 @p2 $0x1082  }
0x22: {  	[simem:s7], [sflag:s8] =	dma.local @!p0 [hbm:s6], $0xF7A  }
0x23: {  	s9 =	sor.u32 $0xD0000000, s2;
	s6 =	simm.s32 $0x108;
	_ =	swait.ge @!p0 [sflag:s8], $0x0  }
0x24: {  	s3 =	sadd.s32 $0x88, s3;
	s6 =	simm.s32 @!p1 $0x1082;
	[sflag:s4] =	ssyncset.s32 $0xFFFFF086  }
0x25: {  	[simem:s6], [sflag:s4] =	dma.local [hbm:s3], $0xF7A  }
0x26: {  	[smem:$0x3F8F] =	sst s1;
	(tag) =	ssettag s2;
	_ =	strace s9  }
0x27: {  	s1 =	sld [smem:$0x3F9F]  }
0x28: {  	s2 =	sld [smem:$0x3FA0]  }
0x29: {  	s4 =	sld [smem:$0x3FA2]  }
0x2a: {  	p0 =	seq.s32 s5, $0x0;
	s5 =	sld [smem:$0x3FA3]  }
0x2b: {  	s6 =	sld [smem:$0x3FA4]  }
0x2c: {  	s7 =	sld [smem:$0x3FA5]  }
0x2d: {  	s3 =	simm.s32 $0x108;
	s8 =	sld [smem:$0x3FA6]  }
0x2e: {  	s3 =	simm.s32 @!p0 $0x1082;
	s9 =	sld [smem:$0x3FA7]  }
0x2f: {  	lr =	sadd.s32 s0, s3;
	s0 =	sld [smem:$0x3F9E]  }
0x30: {  	s3 =	sld [smem:$0x3FA1]  }
0x31: {  	[smem:$0x3FAA] =	sst s10  }
0x32: {  	s10 =	sld [smem:$0x3FA8];
	_ =	sdelay $0x3  }
0x33: {  	p0 =	seq.s32 s10, $0x1;
	s10 =	sld [smem:$0x3FAA];
	_ =	sdelay $0x3  }
0x34: {  	[smem:$0x3FAA] =	sst s10  }
0x35: {  	s10 =	sld [smem:$0x3FA9];
	_ =	sdelay $0x3  }
0x36: {  	p1 =	seq.s32 s10, $0x1;
	s10 =	sld [smem:$0x3FAA];
	_ =	sdelay $0x3  }
0x37: {  	[smem:$0x3FAA] =	sst s10  }
0x38: {  	s10 =	sld [smem:$0x3FAB]  }
0x39: {  	_ = 	snop;
	(pc) =	sbr.ind lr, $3  }
0x3a: {  	_ = 	snop  }
0x3b: {  	_ = 	snop  }
0x3c: {  	p2 =	seq.s32 s10, $0x1;
	s10 =	sld [smem:$0x3FAA]  }
0x3d: {  	_ =	shalt  }
0x3e: {  	_ =	shalt  }
0x3f: {  	_ =	shalt  }
0x40: {  	_ =	shalt  }
0x41: {  	_ =	shalt  }
0x42: {  	_ =	shalt  }
0x43: {  	_ =	shalt  }
0x44: {  	_ =	shalt  }
0x45: {  	_ =	shalt  }
0x46: {  	_ =	shalt  }
0x47: {  	_ =	shalt  }
0x48: {  	_ =	shalt  }
0x49: {  	_ =	shalt  }
0x4a: {  	_ =	shalt  }
0x4b: {  	_ =	shalt  }
0x4c: {  	_ =	shalt  }
0x4d: {  	_ =	shalt  }
0x4e: {  	_ =	shalt  }
0x4f: {  	_ =	shalt  }
0x50: {  	_ =	shalt  }
0x51: {  	_ =	shalt  }
0x52: {  	_ =	shalt  }
0x53: {  	_ =	shalt  }
0x54: {  	_ =	shalt  }
0x55: {  	_ =	shalt  }
0x56: {  	_ =	shalt  }
0x57: {  	_ =	shalt  }
0x58: {  	_ =	shalt  }
0x59: {  	_ =	shalt  }
0x5a: {  	_ =	shalt  }
0x5b: {  	_ =	shalt  }
0x5c: {  	_ =	shalt  }
0x5d: {  	_ =	shalt  }
0x5e: {  	_ =	shalt  }
0x5f: {  	_ =	shalt  }
0x60: {  	_ =	shalt  }
0x61: {  	_ =	shalt  }
0x62: {  	_ =	shalt  }
0x63: {  	_ =	shalt  }
0x64: {  	_ =	shalt  }
0x65: {  	_ =	shalt  }
0x66: {  	_ =	shalt  }
0x67: {  	_ =	shalt  }
0x68: {  	_ =	shalt  }
0x69: {  	_ =	shalt  }
0x6a: {  	_ =	shalt  }
0x6b: {  	_ =	shalt  }
0x6c: {  	_ =	shalt  }
0x6d: {  	_ =	shalt  }
0x6e: {  	_ =	shalt  }
0x6f: {  	_ =	shalt  }
0x70: {  	_ =	shalt  }
0x71: {  	_ =	shalt  }
0x72: {  	_ =	shalt  }
0x73: {  	_ =	shalt  }
0x74: {  	_ =	shalt  }
0x75: {  	_ =	shalt  }
0x76: {  	_ =	shalt  }
0x77: {  	_ =	shalt  }
0x78: {  	_ =	shalt  }
0x79: {  	_ =	shalt  }
0x7a: {  	_ =	shalt  }
0x7b: {  	_ =	shalt  }
0x7c: {  	_ =	shalt  }
0x7d: {  	_ =	shalt  }
0x7e: {  	_ =	shalt  }
0x7f: {  	_ =	shalt  }
0x80: {  	_ =	shalt  }
0x81: {  	_ =	shalt  }
0x82: {  	_ =	shalt  }
0x83: {  	_ =	shalt  }
0x84: {  	_ =	shalt  }
0x85: {  	_ =	shalt  }
0x86: {  	_ =	shalt  }
0x87: {  	_ =	shalt  }
.Lfunc_end0:
.L_simem_size_0:
called_computation.1_lowered:
.L_overlay_start_0:
0x88: {  	s2 =	sld [smem:$0x3FD9]  }
0x89: {  	s3 =	sld [smem:$0x3FFE];
	_ =	sdelay $0x1  }
0x8a: {  	s1 =	srdreg.scid  }
0x8b: {  	s0 =	sand.u32 $0x1, s1  }
0x8c: {  	s16 =	sshll.u32 s0, $0xA;
	s2 =	sadd.s32 s3, s2  }
0x8d: {  	s2 =	sadd.s32 s2, s16  }
0x8e: {  	[smem:$0x3FB6] =	sst s2  }
0x8f: {  	_ = 	snop  }
0x90: {  	(tm) =	ssettm $0x1  }
0x91: {  	s17 =	sld [smem:$0x3FFB];
	_ =	sdelay $0x3  }
0x92: {  	_ =	strace s17  }
0x93: {  	s2 =	sld [smem:$0x3FFC];
	_ =	sdelay $0x3  }
0x94: {  	_ =	strace s2  }
0x95: {  	s2 =	sld [smem:$0x3FFD];
	_ =	sdelay $0x3  }
0x96: {  	_ =	strace s2  }
0x97: {  	_ =	strace $0x8FFFFFFF  }
0x98: {  	s18 =	sld [smem:$0x3FDB];
	_ =	sdelay $0x1  }
0x99: {  	s19 =	simm.s32 $_scs_section_size  }
0x9a: {  	s4 =	simm.s32 $_size__tile_overlayer_lowered;
	s5 =	simm.s32 $_tile_overlayer_lowered  }
0x9b: {  	s22 =	simm.s32 $0x1BFF;
	s21 =	sshll.u32 s5, $0x1;
	s2 =	sadd.s32 s19, s18  }
0x9c: {  	s6 =	simm.s32 $0x0;
	s20 =	sshll.u32 s4, $0x1;
	s4 =	sadd.s32 s21, s2  }
0x9d: {  	[timem:s6], [sflag:s22] =	dma.local [hbm:s4], s20  }
0x9e: {  	_ =	swait.ge [sflag:s22], s20  }
0x9f: {  	s3 =	ssub.s32 $0x0, s20;
	[sflag:s22] =	ssyncset.done $0x0  }
0xa0: {  	[sflag:s22] =	ssyncadd.s32 s3;
	_ =	sdelay $0x1  }
0xa1: {  	s23 =	simm.s32 $0x1B8B  }
0xa2: {  	_ =	swait.ge [sflag:s23], $0x1  }
0xa3: {  	[sflag:s23] =	ssyncset.done $0x0  }
0xa4: {  	s25 =	simm.s32 $0x1B8E;
	s24 =	sld [smem:$0x3FFE];
	[sflag:s23] =	ssyncadd.s32 $0xFFFFFFFF  }
0xa5: {  	s26 =	simm.s32 $execute0_lowered;
	[smem:$0x3FD2] =	sst s25  }
0xa6: {  	s4 =	sshll.u32 s26, $0x1;
	_ =	strace $0x80000049;
	[dreg:$0x1] =	wrdreg $0xFFFFFFFF  }
0xa7: {  	s28 =	simm.s32 $_size_execute0_lowered;
	s2 =	sadd.s32 s2, s4;
	[dreg:$0x0] =	wrdreg $0x0  }
0xa8: {  	s4 =	sshll.u32 s28, $0x1;
	[dreg:$0x2] =	wrdreg s2  }
0xa9: {  	[dreg:$0x3] =	wrdreg s4  }
0xaa: {  	[dreg:$0x4] =	wrdreg $0xC0  }
0xab: {  	_ =	task [dreg:s6], $0x5FFFF  }
0xac: {  	[dreg:$0x1] =	wrdreg $0xFFFFFFFF  }
0xad: {  	[dreg:$0x0] =	wrdreg $0x60  }
0xae: {  	[dreg:$0x2] =	wrdreg s24  }
0xaf: {  	[dreg:$0x3] =	wrdreg $0x90000  }
0xb0: {  	[dreg:$0x4] =	wrdreg $0x9  }
0xb1: {  	_ =	task.clear_ibuf [dreg:s6], $0x5FFFF;
	_ =	strace $0x90000049  }
0xb2: {  	s29 =	simm.s32 $0x9;
	_ =	strace $0x8000004B  }
0xb3: {  	_ =	swait.ge [sflag:s29], $0x1  }
0xb4: {  	[sflag:s29] =	ssyncadd.s32 $0xFFFFFFFF  }
0xb5: {  	_ =	strace $0x9000004B  }
0xb6: {  	_ =	sfence  }
0xb7: {  	s30 =	sld [smem:$0x0];
	_ =	sdelay $0x2  }
0xb8: {  	s31 =	sshll.u32 s1, $0xD;
	s1 =	sshrl.u32 s1, $0x2  }
0xb9: {  	s3 =	sand.u32 $0x4000, s31;
	s1 =	sadd.s32 s1, s30  }
0xba: {  	s0 =	sor.u32 s3, s0;
	s1 =	sshll.u32 s1, $0x11  }
0xbb: {  	s0 =	sor.u32 s1, s0  }
0xbc: {  	s0 =	sadd.s32 $0x8F2B, s0  }
0xbd: {  	[sflag:s0] =	ssyncadd.remote.s32 $0x1  }
0xbe: {  	_ =	sfence.sel $0xFFFF  }
0xbf: {  	[dreg:$0x0] =	wrdreg $0xFFFFFFFF;
	(pc) =	sbr.abs _section_cstart, $3  }
0xc0: {  	[dreg:$0x1] =	wrdreg $0xFFFFFFFF  }
0xc1: {  	_ =	task.clear_ibuf [dreg:s6], $0x2FFFF;
	_ =	strace $0x9FFFFFFF  }
0xc2: {  	(tm) =	ssettm $0x7FFFFFFF  }
0xc3: {  	_ =	shalt  }
tec
execute0_lowered:
.L_overlay_start_1:
0x0: {  	(tag) =	ssettag $0x1  }
0x1: {  	s0 =	srdreg.scid;
	s5 =	rddreg [dreg:$0x0]  }
0x2: {  	s2 =	rddreg [dreg:$0x1];
	s1 =	stileid.u32  }
0x3: {  	s3 =	simm.s32 $0x0;
	s24 =	simm.s32 $0x2800;
	s25 =	simm.s32 $0x80  }
0x4: {  	s26 =	simm.s32 $0x1;
	s28 =	simm.s32 $0x0;
	s6 =	sand.u32 $0x1, s0  }
0x5: {  	[smem:$0x7FF] =	sst s3;
	s8 =	smul.u32 $0x50000, s1;
	s21 =	sadd.s32 $0x90800, s5  }
0x6: {  	s17 =	smul.u32 $0x14000, s1;
	s4 =	sshll.u32 s6, $0x4;
	_ =	strace $0x8000004A  }
0x7: {  	s30 =	ssub.s32 $0x2, s6;
	s18 =	smul.u32 $0x140000, s6;
	s4 =	sor.u32 s1, s4  }
0x8: {  	s9 =	sshrl.u32 s30, $0x1;
	s8 =	sshrl.u32 s8, $0x2;
	s14 =	sadd.s32 $0x4000, s17  }
0x9: {  	s19 =	sadd.s32 $0x8000, s17;
	s20 =	sadd.s32 $0xC000, s17;
	s22 =	sadd.s32 $0x10000, s17  }
0xa: {  	s7 =	smul.u32 $0x500, s4;
	s4 =	sadd.s32 $0x68800, s5;
	s9 =	ssub.s32 s30, s9  }
0xb: {  	s12 =	sadd.s32 s18, s17;
	s15 =	sadd.s32 s18, s14;
	s14 =	sadd.s32 s14, s2  }
0xc: {  	s16 =	sadd.s32 s19, s2;
	s19 =	sadd.s32 s18, s19;
	s31 =	sadd.s32 s18, s20  }
0xd: {  	s23 =	sadd.s32 s18, s22;
	s18 =	sadd.s32 s20, s2;
	s20 =	sadd.s32 s22, s2  }
0xe: {  	s22 =	simm.s32 $0x5000;
	s13 =	sshrl.u32 s12, $0x3;
	s15 =	sshrl.u32 s15, $0x3  }
0xf: {  	s19 =	sshrl.u32 s19, $0x3;
	s23 =	sshrl.u32 s23, $0x3;
	s7 =	sadd.s32 s7, s5  }
0x10: {  	s5 =	sadd.s32 s8, s2;
	s8 =	smax.u32 s9, $0x1;
	s13 =	sadd.s32 s21, s13  }
0x11: {  	s15 =	sadd.s32 s21, s15;
	s17 =	sadd.s32 s21, s19;
	s19 =	sshrl.u32 s31, $0x3  }
0x12: {  	s6 =	sadd.s32 $0x5E800, s7;
	s7 =	sadd.s32 $0x4800, s7;
	s9 =	sadd.s32 $0x4000, s5  }
0x13: {  	s10 =	sadd.s32 $0x8000, s5;
	s11 =	sadd.s32 $0xC000, s5;
	s12 =	sadd.s32 $0x10000, s5  }
0x14: {  	v0 =	vimm.f32 $0.0e+00;
	s19 =	sadd.s32 s21, s19;
	s21 =	sadd.s32 s21, s23;
	s23 =	simm.s32 $0x2  }
.LBB2_1:
0x15: {  	s29 =	sand.u32 $0xFE00, s3  }
0x16: {  	s30 =	sand.u32 $0x70, s3;
	s31 =	sshrl.u32 s29, $0x2  }
0x17: {  	s29 =	simm.s32 $0x40;
	s31 =	sor.u32 s30, s31;
	s30 =	simm.s32 $0x0  }
.LBB2_2:
0x18: {  	p0 =	sne.s32 s29, $0xFFC0  }
0x19: {  	[tilespmem:s31+$0x5000] =	vst v0;
	s30 =	sadd.s32 $0x10, s30;
	s31 =	smov.u32 s29;
	s29 =	sadd.s32 $0x40, s29  }
.Ltmp0:
0x1a: {  	(pc) =	sbr.rel @p0 .LBB2_2-.Ltmp0, $4  }
0x1b: {  	_ = 	snop  }
0x1c: {  	s31 =	sand.u32 $0xFE00, s31  }
0x1d: {  	s0 =	sand.u32 $0x70, s30;
	s31 =	sshrl.u32 s31, $0x2  }
0x1e: {  	s31 =	sor.u32 s0, s31  }
0x1f: {  	[tilespmem:s31+$0x5000] =	vst v0  }
0x20: {  	[spmem:s5] =	stream.linear.scatter [tilespmem:s22], [sflag:$0x2], $0x4000, $0x38;
	[tilespmem:$0x1D000] =	vst v63  }
0x21: {  	_ =	swait.ge [sflag:s23], $0x4000  }
0x22: {  	[sflag:s23] =	ssyncset.done $0x0  }
0x23: {  	[sflag:s23] =	ssyncadd.s32 $0xFFFFC000  }
0x24: {  	[spmem:s9] =	stream.linear.scatter [tilespmem:s22], [sflag:$0x2], $0x4000, $0x38;
	[tilespmem:$0x1D000] =	vst v63  }
0x25: {  	_ =	swait.ge [sflag:s23], $0x4000  }
0x26: {  	[sflag:s23] =	ssyncset.done $0x0  }
0x27: {  	[sflag:s23] =	ssyncadd.s32 $0xFFFFC000  }
0x28: {  	[spmem:s10] =	stream.linear.scatter [tilespmem:s22], [sflag:$0x2], $0x4000, $0x38;
	[tilespmem:$0x1D000] =	vst v63  }
0x29: {  	_ =	swait.ge [sflag:s23], $0x4000  }
0x2a: {  	[sflag:s23] =	ssyncset.done $0x0  }
0x2b: {  	[sflag:s23] =	ssyncadd.s32 $0xFFFFC000  }
0x2c: {  	[spmem:s11] =	stream.linear.scatter [tilespmem:s22], [sflag:$0x2], $0x4000, $0x38;
	[tilespmem:$0x1D000] =	vst v63  }
0x2d: {  	_ =	swait.ge [sflag:s23], $0x4000  }
0x2e: {  	[sflag:s23] =	ssyncset.done $0x0  }
0x2f: {  	[sflag:s23] =	ssyncadd.s32 $0xFFFFC000  }
0x30: {  	[spmem:s12] =	stream.linear.scatter [tilespmem:s22], [sflag:$0x2], $0x4000, $0x38;
	[tilespmem:$0x1D000] =	vst v63  }
0x31: {  	_ =	swait.ge [sflag:s23], $0x4000  }
0x32: {  	[sflag:s23] =	ssyncset.done $0x0  }
0x33: {  	[sflag:s23] =	ssyncadd.s32 $0xFFFFC000  }
0x34: {  	s0 =	simm.s32 $0x0;
	[bflag:$0x0] =	sbarrier.arrive $0xFFFF  }
0x35: {  	[tilespmem:s0], [sflag:$0x2] =	stream.linear.gather [hbm4b:s6+s0], $0x2780, $0x38;
	[tilespmem:$0x1D000] =	vst v63  }
0x36: {  	_ =	swait.ge [sflag:s23], $0x2780  }
0x37: {  	[sflag:s23] =	ssyncset.done $0x0  }
0x38: {  	[sflag:s23] =	ssyncadd.s32 $0xFFFFD880  }
0x39: {  	[tilespmem:s24], [sflag:$0x2] =	stream.linear.gather [hbm4b:s7+s0], $0x2780, $0x38;
	[tilespmem:$0x1D000] =	vst v63  }
0x3a: {  	_ =	swait.ge [sflag:s23], $0x2780  }
0x3b: {  	[sflag:s23] =	ssyncset.done $0x0  }
0x3c: {  	s31 =	simm.s32 $0x0;
	[sflag:s23] =	ssyncadd.s32 $0xFFFFD880  }
0x3d: {  	[tilespmem:s22], [sflag:$0x1] =	stream.indirect.gather [hbm4b:s4+s25], $0x80, s31, s25, $0xb8;
	[tilespmem:$0x1D000] =	vst v63  }
0x3e: {  	_ =	swait.ge [sflag:s26], $0x4000  }
0x3f: {  	[sflag:s26] =	ssyncset.done $0x0  }
0x40: {  	s31 =	simm.s32 $0x2800;
	[sflag:s26] =	ssyncadd.s32 $0xFFFFC000  }
0x41: {  	[spmem:s2] =	stream.indirect.scatter.add.f32 [tilespmem:s22], [sflag:$0x2], $0x80, s31, s25, $0xb8;
	[tilespmem:$0x1D000] =	vst v63  }
0x42: {  	_ =	swait.ge [sflag:s23], $0x4000  }
0x43: {  	s29 =	simm.s32 $0x200;
	s30 =	simm.s32 $0x400;
	[sflag:s23] =	ssyncset.done $0x0  }
.LBB2_4:
0x44: {  	s0 =	sshra.s32 s29, $0x2  }
0x45: {  	[sflag:s23] =	ssyncadd.s32 $0xFFFFC000;
	s29 =	smov.u32 s30;
	s31 =	sadd.s32 $0x200, s30  }
0x46: {  	[tilespmem:s22], [sflag:$0x1] =	stream.indirect.gather [hbm4b:s4+s25], $0x80, s0, s25, $0xb8;
	[tilespmem:$0x1D000] =	vst v63  }
0x47: {  	p0 =	sne.s32 s30, $0x9C00;
	_ =	swait.ge [sflag:s26], $0x4000  }
.Ltmp1:
0x48: {  	[sflag:s26] =	ssyncset.done $0x0;
	(pc) =	sbr.rel @p0 .LBB2_4-.Ltmp1, $4  }
0x49: {  	s0 =	sadd.s32 $0x2800, s0;
	[sflag:s26] =	ssyncadd.s32 $0xFFFFC000  }
0x4a: {  	[spmem:s2] =	stream.indirect.scatter.add.f32 [tilespmem:s22], [sflag:$0x2], $0x80, s0, s25, $0xb8;
	[tilespmem:$0x1D000] =	vst v63  }
0x4b: {  	_ =	swait.ge [sflag:s23], $0x4000  }
0x4c: {  	s30 =	smov.u32 s31;
	[sflag:s23] =	ssyncset.done $0x0  }
0x4d: {  	s0 =	sshra.s32 s29, $0x2;
	[sflag:s23] =	ssyncadd.s32 $0xFFFFC000  }
0x4e: {  	[tilespmem:s22], [sflag:$0x1] =	stream.indirect.gather [hbm4b:s4+s25], $0x80, s0, s25, $0xb8;
	[tilespmem:$0x1D000] =	vst v63  }
0x4f: {  	_ =	swait.ge [sflag:s26], $0x4000  }
0x50: {  	[sflag:s26] =	ssyncset.done $0x0  }
0x51: {  	s0 =	sadd.s32 $0x2800, s0;
	[sflag:s26] =	ssyncadd.s32 $0xFFFFC000  }
0x52: {  	[spmem:s2] =	stream.indirect.scatter.add.f32 [tilespmem:s22], [sflag:$0x2], $0x80, s0, s25, $0xb8;
	[tilespmem:$0x1D000] =	vst v63  }
0x53: {  	_ =	swait.ge [sflag:s23], $0x4000  }
0x54: {  	[sflag:s23] =	ssyncset.done $0x0  }
0x55: {  	[sflag:s23] =	ssyncadd.s32 $0xFFFFC000  }
0x56: {  	[bflag:$0x0] =	sbarrier.arrive $0xFFFF  }
0x57: {  	[tilespmem:s22], [sflag:$0x2] =	stream.linear.gather [spmem:s5], $0x4000, $0x38;
	[tilespmem:$0x1D000] =	vst v63  }
0x58: {  	_ =	swait.ge [sflag:s23], $0x4000  }
0x59: {  	[sflag:s23] =	ssyncset.done $0x0  }
0x5a: {  	[sflag:s23] =	ssyncadd.s32 $0xFFFFC000  }
0x5b: {  	[hbm4b:s13+s3] =	stream.linear.scatter [tilespmem:s22], [sflag:$0x2], $0x4000, $0x38;
	[tilespmem:$0x1D000] =	vst v63  }
0x5c: {  	_ =	swait.ge [sflag:s23], $0x4000  }
0x5d: {  	[sflag:s23] =	ssyncset.done $0x0  }
0x5e: {  	[sflag:s23] =	ssyncadd.s32 $0xFFFFC000  }
0x5f: {  	[tilespmem:s22], [sflag:$0x2] =	stream.linear.gather [spmem:s14], $0x4000, $0x38;
	[tilespmem:$0x1D000] =	vst v63  }
0x60: {  	_ =	swait.ge [sflag:s23], $0x4000  }
0x61: {  	[sflag:s23] =	ssyncset.done $0x0  }
0x62: {  	[sflag:s23] =	ssyncadd.s32 $0xFFFFC000  }
0x63: {  	[hbm4b:s15+s3] =	stream.linear.scatter [tilespmem:s22], [sflag:$0x2], $0x4000, $0x38;
	[tilespmem:$0x1D000] =	vst v63  }
0x64: {  	_ =	swait.ge [sflag:s23], $0x4000  }
0x65: {  	[sflag:s23] =	ssyncset.done $0x0  }
0x66: {  	[sflag:s23] =	ssyncadd.s32 $0xFFFFC000  }
0x67: {  	[tilespmem:s22], [sflag:$0x2] =	stream.linear.gather [spmem:s16], $0x4000, $0x38;
	[tilespmem:$0x1D000] =	vst v63  }
0x68: {  	_ =	swait.ge [sflag:s23], $0x4000  }
0x69: {  	[sflag:s23] =	ssyncset.done $0x0  }
0x6a: {  	[sflag:s23] =	ssyncadd.s32 $0xFFFFC000  }
0x6b: {  	[hbm4b:s17+s3] =	stream.linear.scatter [tilespmem:s22], [sflag:$0x2], $0x4000, $0x38;
	[tilespmem:$0x1D000] =	vst v63  }
0x6c: {  	_ =	swait.ge [sflag:s23], $0x4000  }
0x6d: {  	[sflag:s23] =	ssyncset.done $0x0  }
0x6e: {  	[sflag:s23] =	ssyncadd.s32 $0xFFFFC000  }
0x6f: {  	[tilespmem:s22], [sflag:$0x2] =	stream.linear.gather [spmem:s18], $0x4000, $0x38;
	[tilespmem:$0x1D000] =	vst v63  }
0x70: {  	_ =	swait.ge [sflag:s23], $0x4000  }
0x71: {  	[sflag:s23] =	ssyncset.done $0x0  }
0x72: {  	[sflag:s23] =	ssyncadd.s32 $0xFFFFC000  }
0x73: {  	[hbm4b:s19+s3] =	stream.linear.scatter [tilespmem:s22], [sflag:$0x2], $0x4000, $0x38;
	[tilespmem:$0x1D000] =	vst v63  }
0x74: {  	_ =	swait.ge [sflag:s23], $0x4000  }
0x75: {  	[sflag:s23] =	ssyncset.done $0x0  }
0x76: {  	[sflag:s23] =	ssyncadd.s32 $0xFFFFC000  }
0x77: {  	[tilespmem:s22], [sflag:$0x2] =	stream.linear.gather [spmem:s20], $0x4000, $0x38;
	[tilespmem:$0x1D000] =	vst v63  }
0x78: {  	s28 =	sadd.s32 $0x1, s28;
	_ =	swait.ge [sflag:s23], $0x4000  }
0x79: {  	p0 =	sne.s32 s28, s8;
	[sflag:s23] =	ssyncset.done $0x0  }
.Ltmp2:
0x7a: {  	[sflag:s23] =	ssyncadd.s32 $0xFFFFC000;
	(pc) =	sbr.rel @p0 .LBB2_1-.Ltmp2, $4  }
0x7b: {  	[hbm4b:s21+s3] =	stream.linear.scatter [tilespmem:s22], [sflag:$0x2], $0x4000, $0x38;
	[tilespmem:$0x1D000] =	vst v63  }
0x7c: {  	_ =	swait.ge [sflag:s23], $0x4000  }
0x7d: {  	[sflag:s23] =	ssyncset.done $0x0  }
0x7e: {  	[sflag:s23] =	ssyncadd.s32 $0xFFFFC000  }
0x7f: {  	_ =	sfence.sel $0x180000  }
0x80: {  	[bflag:$0x0] =	sbarrier.arrive $0xFFFF  }
0x81: {  	_ =	strace $0x9000004A  }
0x82: {  	[bflag:$0x2] =	sbarrier.arrive $0xFFFF  }
0x83: {  	p0 =	sne.s32 s1, $0x0;
	s0 =	rddreg [dreg:$0x2]  }
0x84: {  	s0 =	sadd.s32 @!p0 $0x100000, s0  }
0x85: {  	[sflag:s0] =	ssyncadd.tile.s32 @!p0 $0x1;
	_ =	shalt  }
.Lfunc_end2:
_tile_overlayer_lowered:
.L_overlay_start_2:
0x86: {  	(tag) =	ssettag $0x2  }
0x87: {  	s0 =	rddreg [dreg:$0x0];
	s2 =	stileid.u32  }
0x88: {  	s1 =	rddreg [dreg:$0x1];
	p0 =	sne.s32 s2, $0x0  }
0x89: {  	s3 =	rddreg [dreg:$0x2];
	[bflag:$0x3] =	sbarrier.arrive $0xFFFF;
	s2 =	simm.s32 @!p0 $0x1C02  }
0x8a: {  	[timem:s3], [sflag:s2] =	dma.local @!p0 [hbm:s0], s1  }
0x8b: {  	s0 =	simm.s32 @!p0 $0x2  }
0x8c: {  	_ =	swait.ge @!p0 [sflag:s0], s1  }
0x8d: {  	s1 =	ssub.s32 @!p0 $0x0, s1;
	[sflag:s0] =	ssyncset.done @!p0 $0x0  }
0x8e: {  	[sflag:s0] =	ssyncadd.s32 @!p0 s1  }
0x8f: {  	[bflag:$0x3] =	sbarrier.arrive $0xFFFF  }
0x90: {  	_ =	shalt  }

// kernel: kernel.16.cloned.1.call-start
scs
__scs_entry_jumppad:
0x0: {  	(pc) =	sbr.rel $0x88, $3  }
0x1: {  	(tag) =	ssettag $0x0;
	lr =	simm.s32 $0x1  }
0x2: {  	[smem:$0x3F8F] =	sst lr;
	_ =	strace $0xD0000000  }
0x3: {  	_ = 	snop  }
0x4: {  	_ = 	snop  }
0x5: {  	_ = 	snop  }
0x6: {  	_ = 	snop  }
0x7: {  	_ = 	snop  }
__scs_overlays_trampoline_lowered:
0x8: {  	[smem:$0x3F9E] =	sst s0  }
0x9: {  	[smem:$0x3F9F] =	sst s1  }
0xa: {  	[smem:$0x3FA0] =	sst s2  }
0xb: {  	[smem:$0x3FA1] =	sst s3  }
0xc: {  	[smem:$0x3FA2] =	sst s4  }
0xd: {  	[smem:$0x3FA3] =	sst s5  }
0xe: {  	[smem:$0x3FA4] =	sst s6  }
0xf: {  	[smem:$0x3FA5] =	sst s7  }
0x10: {  	[smem:$0x3FA6] =	sst s8  }
0x11: {  	[smem:$0x3FA7] =	sst s9;
	s0 =	simm.s32 @!p0 $0x0  }
0x12: {  	s1 =	sld [smem:$0x3F8D];
	s0 =	simm.s32 @p0 $0x1  }
0x13: {  	[smem:$0x3FA8] =	sst s0;
	s0 =	simm.s32 @!p1 $0x0  }
0x14: {  	s2 =	sld [smem:$0x3F8C];
	s0 =	simm.s32 @p1 $0x1  }
0x15: {  	[smem:$0x3FA9] =	sst s0;
	s0 =	simm.s32 @!p2 $0x0  }
0x16: {  	s3 =	sld [smem:$0x3FDB];
	s0 =	simm.s32 @p2 $0x1  }
0x17: {  	s4 =	simm.s32 $0x1BF5;
	[smem:$0x3FAB] =	sst s0  }
0x18: {  	s0 =	sld [smem:$0x3F8E];
	_ =	swait.ge [sflag:s4], $0x0  }
0x19: {  	s7 =	sld [smem:$0x3F8F]  }
0x1a: {  	s8 =	sadd.s32 $0xFFFFE003, lr  }
0x1b: {  	s9 =	sadd.s32 $0xFFFFFEF7, lr;
	s5 =	simm.s32 $0xFFFFFFFF;
	p2 =	slt.u32 s8, $0xFFFFF086  }
0x1c: {  	p1 =	slt.u32 s9, $0xF7A;
	s5 =	simm.s32 @!p2 $0x0  }
0x1d: {  	s5 =	simm.s32 @p1 $0x1;
	p0 =	seq.s32 s7, s2  }
0x1e: {  	s7 =	smul.u32 @!p0 $0xF7A, s2;
	p2 =	seq.s32 @!p0 s5, $0x0  }
0x1f: {  	s9 =	smul.u32 $0xF7A, s1;
	s8 =	simm.s32 @!p0 $0x1BF5;
	p2 =	por !p2, p0  }
0x20: {  	[sflag:s8] =	ssyncset.s32 @!p0 $0xFFFFF086;
	s6 =	sadd.s32 @!p0 s3, s7;
	s7 =	simm.s32 @!p0 $0x108  }
0x21: {  	s3 =	sadd.s32 s3, s9;
	s6 =	sadd.s32 @!p0 $0x88, s6;
	s7 =	simm.s32 @p2 $0x1082  }
0x22: {  	[simem:s7], [sflag:s8] =	dma.local @!p0 [hbm:s6], $0xF7A  }
0x23: {  	s9 =	sor.u32 $0xD0000000, s2;
	s6 =	simm.s32 $0x108;
	_ =	swait.ge @!p0 [sflag:s8], $0x0  }
0x24: {  	s3 =	sadd.s32 $0x88, s3;
	s6 =	simm.s32 @!p1 $0x1082;
	[sflag:s4] =	ssyncset.s32 $0xFFFFF086  }
0x25: {  	[simem:s6], [sflag:s4] =	dma.local [hbm:s3], $0xF7A  }
0x26: {  	[smem:$0x3F8F] =	sst s1;
	(tag) =	ssettag s2;
	_ =	strace s9  }
0x27: {  	s1 =	sld [smem:$0x3F9F]  }
0x28: {  	s2 =	sld [smem:$0x3FA0]  }
0x29: {  	s4 =	sld [smem:$0x3FA2]  }
0x2a: {  	p0 =	seq.s32 s5, $0x0;
	s5 =	sld [smem:$0x3FA3]  }
0x2b: {  	s6 =	sld [smem:$0x3FA4]  }
0x2c: {  	s7 =	sld [smem:$0x3FA5]  }
0x2d: {  	s3 =	simm.s32 $0x108;
	s8 =	sld [smem:$0x3FA6]  }
0x2e: {  	s3 =	simm.s32 @!p0 $0x1082;
	s9 =	sld [smem:$0x3FA7]  }
0x2f: {  	lr =	sadd.s32 s0, s3;
	s0 =	sld [smem:$0x3F9E]  }
0x30: {  	s3 =	sld [smem:$0x3FA1]  }
0x31: {  	[smem:$0x3FAA] =	sst s10  }
0x32: {  	s10 =	sld [smem:$0x3FA8];
	_ =	sdelay $0x3  }
0x33: {  	p0 =	seq.s32 s10, $0x1;
	s10 =	sld [smem:$0x3FAA];
	_ =	sdelay $0x3  }
0x34: {  	[smem:$0x3FAA] =	sst s10  }
0x35: {  	s10 =	sld [smem:$0x3FA9];
	_ =	sdelay $0x3  }
0x36: {  	p1 =	seq.s32 s10, $0x1;
	s10 =	sld [smem:$0x3FAA];
	_ =	sdelay $0x3  }
0x37: {  	[smem:$0x3FAA] =	sst s10  }
0x38: {  	s10 =	sld [smem:$0x3FAB]  }
0x39: {  	_ = 	snop;
	(pc) =	sbr.ind lr, $3  }
0x3a: {  	_ = 	snop  }
0x3b: {  	_ = 	snop  }
0x3c: {  	p2 =	seq.s32 s10, $0x1;
	s10 =	sld [smem:$0x3FAA]  }
0x3d: {  	_ =	shalt  }
0x3e: {  	_ =	shalt  }
0x3f: {  	_ =	shalt  }
0x40: {  	_ =	shalt  }
0x41: {  	_ =	shalt  }
0x42: {  	_ =	shalt  }
0x43: {  	_ =	shalt  }
0x44: {  	_ =	shalt  }
0x45: {  	_ =	shalt  }
0x46: {  	_ =	shalt  }
0x47: {  	_ =	shalt  }
0x48: {  	_ =	shalt  }
0x49: {  	_ =	shalt  }
0x4a: {  	_ =	shalt  }
0x4b: {  	_ =	shalt  }
0x4c: {  	_ =	shalt  }
0x4d: {  	_ =	shalt  }
0x4e: {  	_ =	shalt  }
0x4f: {  	_ =	shalt  }
0x50: {  	_ =	shalt  }
0x51: {  	_ =	shalt  }
0x52: {  	_ =	shalt  }
0x53: {  	_ =	shalt  }
0x54: {  	_ =	shalt  }
0x55: {  	_ =	shalt  }
0x56: {  	_ =	shalt  }
0x57: {  	_ =	shalt  }
0x58: {  	_ =	shalt  }
0x59: {  	_ =	shalt  }
0x5a: {  	_ =	shalt  }
0x5b: {  	_ =	shalt  }
0x5c: {  	_ =	shalt  }
0x5d: {  	_ =	shalt  }
0x5e: {  	_ =	shalt  }
0x5f: {  	_ =	shalt  }
0x60: {  	_ =	shalt  }
0x61: {  	_ =	shalt  }
0x62: {  	_ =	shalt  }
0x63: {  	_ =	shalt  }
0x64: {  	_ =	shalt  }
0x65: {  	_ =	shalt  }
0x66: {  	_ =	shalt  }
0x67: {  	_ =	shalt  }
0x68: {  	_ =	shalt  }
0x69: {  	_ =	shalt  }
0x6a: {  	_ =	shalt  }
0x6b: {  	_ =	shalt  }
0x6c: {  	_ =	shalt  }
0x6d: {  	_ =	shalt  }
0x6e: {  	_ =	shalt  }
0x6f: {  	_ =	shalt  }
0x70: {  	_ =	shalt  }
0x71: {  	_ =	shalt  }
0x72: {  	_ =	shalt  }
0x73: {  	_ =	shalt  }
0x74: {  	_ =	shalt  }
0x75: {  	_ =	shalt  }
0x76: {  	_ =	shalt  }
0x77: {  	_ =	shalt  }
0x78: {  	_ =	shalt  }
0x79: {  	_ =	shalt  }
0x7a: {  	_ =	shalt  }
0x7b: {  	_ =	shalt  }
0x7c: {  	_ =	shalt  }
0x7d: {  	_ =	shalt  }
0x7e: {  	_ =	shalt  }
0x7f: {  	_ =	shalt  }
0x80: {  	_ =	shalt  }
0x81: {  	_ =	shalt  }
0x82: {  	_ =	shalt  }
0x83: {  	_ =	shalt  }
0x84: {  	_ =	shalt  }
0x85: {  	_ =	shalt  }
0x86: {  	_ =	shalt  }
0x87: {  	_ =	shalt  }
.Lfunc_end0:
.L_simem_size_0:
called_computation.2_lowered:
.L_overlay_start_0:
0x88: {  	s2 =	sld [smem:$0x3FD9]  }
0x89: {  	s3 =	sld [smem:$0x3FFE];
	_ =	sdelay $0x1  }
0x8a: {  	s1 =	srdreg.scid  }
0x8b: {  	s0 =	sand.u32 $0x1, s1  }
0x8c: {  	s16 =	sshll.u32 s0, $0xA;
	s2 =	sadd.s32 s3, s2  }
0x8d: {  	s2 =	sadd.s32 s2, s16  }
0x8e: {  	[smem:$0x3FB6] =	sst s2  }
0x8f: {  	_ = 	snop  }
0x90: {  	(tm) =	ssettm $0x1  }
0x91: {  	s17 =	sld [smem:$0x3FFB];
	_ =	sdelay $0x3  }
0x92: {  	_ =	strace s17  }
0x93: {  	s2 =	sld [smem:$0x3FFC];
	_ =	sdelay $0x3  }
0x94: {  	_ =	strace s2  }
0x95: {  	s2 =	sld [smem:$0x3FFD];
	_ =	sdelay $0x3  }
0x96: {  	_ =	strace s2  }
0x97: {  	_ =	strace $0x8FFFFFFF  }
0x98: {  	s18 =	sld [smem:$0x3FDB];
	_ =	sdelay $0x1  }
0x99: {  	s19 =	simm.s32 $_scs_section_size  }
0x9a: {  	s4 =	simm.s32 $_size__tile_overlayer_lowered;
	s5 =	simm.s32 $_tile_overlayer_lowered  }
0x9b: {  	s22 =	simm.s32 $0x1BFF;
	s21 =	sshll.u32 s5, $0x1;
	s2 =	sadd.s32 s19, s18  }
0x9c: {  	s6 =	simm.s32 $0x0;
	s20 =	sshll.u32 s4, $0x1;
	s4 =	sadd.s32 s21, s2  }
0x9d: {  	[timem:s6], [sflag:s22] =	dma.local [hbm:s4], s20  }
0x9e: {  	_ =	swait.ge [sflag:s22], s20  }
0x9f: {  	s3 =	ssub.s32 $0x0, s20;
	[sflag:s22] =	ssyncset.done $0x0  }
0xa0: {  	[sflag:s22] =	ssyncadd.s32 s3;
	_ =	sdelay $0x1  }
0xa1: {  	s23 =	simm.s32 $0x1B8B  }
0xa2: {  	_ =	swait.ge [sflag:s23], $0x1  }
0xa3: {  	[sflag:s23] =	ssyncset.done $0x0  }
0xa4: {  	s25 =	simm.s32 $0x1B8E;
	s24 =	sld [smem:$0x3FFE];
	[sflag:s23] =	ssyncadd.s32 $0xFFFFFFFF  }
0xa5: {  	s26 =	simm.s32 $execute0_lowered;
	[smem:$0x3FD2] =	sst s25  }
0xa6: {  	s4 =	sshll.u32 s26, $0x1;
	_ =	strace $0x8000004C;
	[dreg:$0x1] =	wrdreg $0xFFFFFFFF  }
0xa7: {  	s28 =	simm.s32 $_size_execute0_lowered;
	s2 =	sadd.s32 s2, s4;
	[dreg:$0x0] =	wrdreg $0x0  }
0xa8: {  	s4 =	sshll.u32 s28, $0x1;
	[dreg:$0x2] =	wrdreg s2  }
0xa9: {  	[dreg:$0x3] =	wrdreg s4  }
0xaa: {  	[dreg:$0x4] =	wrdreg $0xC0  }
0xab: {  	_ =	task [dreg:s6], $0x5FFFF  }
0xac: {  	[dreg:$0x1] =	wrdreg $0xFFFFFFFF  }
0xad: {  	[dreg:$0x0] =	wrdreg $0x60  }
0xae: {  	[dreg:$0x2] =	wrdreg s24  }
0xaf: {  	[dreg:$0x3] =	wrdreg $0x90000  }
0xb0: {  	[dreg:$0x4] =	wrdreg $0x9  }
0xb1: {  	_ =	task.clear_ibuf [dreg:s6], $0x5FFFF;
	_ =	strace $0x9000004C  }
0xb2: {  	s29 =	simm.s32 $0x9;
	_ =	strace $0x8000004E  }
0xb3: {  	_ =	swait.ge [sflag:s29], $0x1  }
0xb4: {  	[sflag:s29] =	ssyncadd.s32 $0xFFFFFFFF  }
0xb5: {  	_ =	strace $0x9000004E  }
0xb6: {  	_ =	sfence  }
0xb7: {  	s30 =	sld [smem:$0x0];
	_ =	sdelay $0x2  }
0xb8: {  	s31 =	sshll.u32 s1, $0xD;
	s1 =	sshrl.u32 s1, $0x2  }
0xb9: {  	s3 =	sand.u32 $0x4000, s31;
	s1 =	sadd.s32 s1, s30  }
0xba: {  	s0 =	sor.u32 s3, s0;
	s1 =	sshll.u32 s1, $0x11  }
0xbb: {  	s0 =	sor.u32 s1, s0  }
0xbc: {  	s0 =	sadd.s32 $0x8F2B, s0  }
0xbd: {  	[sflag:s0] =	ssyncadd.remote.s32 $0x1  }
0xbe: {  	_ =	sfence.sel $0xFFFF  }
0xbf: {  	[dreg:$0x0] =	wrdreg $0xFFFFFFFF;
	(pc) =	sbr.abs _section_cstart, $3  }
0xc0: {  	[dreg:$0x1] =	wrdreg $0xFFFFFFFF  }
0xc1: {  	_ =	task.clear_ibuf [dreg:s6], $0x2FFFF;
	_ =	strace $0x9FFFFFFF  }
0xc2: {  	(tm) =	ssettm $0x7FFFFFFF  }
0xc3: {  	_ =	shalt  }
tec
execute0_lowered:
.L_overlay_start_1:
0x0: {  	(tag) =	ssettag $0x1  }
0x1: {  	s0 =	srdreg.scid;
	s5 =	rddreg [dreg:$0x0]  }
0x2: {  	s2 =	rddreg [dreg:$0x1];
	s1 =	stileid.u32  }
0x3: {  	s3 =	simm.s32 $0x0;
	s24 =	simm.s32 $0x2800;
	s25 =	simm.s32 $0x80  }
0x4: {  	s26 =	simm.s32 $0x1;
	s28 =	simm.s32 $0x0;
	s6 =	sand.u32 $0x1, s0  }
0x5: {  	[smem:$0x7FF] =	sst s3;
	s8 =	smul.u32 $0x50000, s1;
	s21 =	sadd.s32 $0x90800, s5  }
0x6: {  	s17 =	smul.u32 $0x14000, s1;
	s4 =	sshll.u32 s6, $0x4;
	_ =	strace $0x8000004D  }
0x7: {  	s30 =	ssub.s32 $0x2, s6;
	s18 =	smul.u32 $0x140000, s6;
	s4 =	sor.u32 s1, s4  }
0x8: {  	s9 =	sshrl.u32 s30, $0x1;
	s8 =	sshrl.u32 s8, $0x2;
	s14 =	sadd.s32 $0x4000, s17  }
0x9: {  	s19 =	sadd.s32 $0x8000, s17;
	s20 =	sadd.s32 $0xC000, s17;
	s22 =	sadd.s32 $0x10000, s17  }
0xa: {  	s7 =	smul.u32 $0x500, s4;
	s4 =	sadd.s32 $0x68800, s5;
	s9 =	ssub.s32 s30, s9  }
0xb: {  	s12 =	sadd.s32 s18, s17;
	s15 =	sadd.s32 s18, s14;
	s14 =	sadd.s32 s14, s2  }
0xc: {  	s16 =	sadd.s32 s19, s2;
	s19 =	sadd.s32 s18, s19;
	s31 =	sadd.s32 s18, s20  }
0xd: {  	s23 =	sadd.s32 s18, s22;
	s18 =	sadd.s32 s20, s2;
	s20 =	sadd.s32 s22, s2  }
0xe: {  	s22 =	simm.s32 $0x5000;
	s13 =	sshrl.u32 s12, $0x3;
	s15 =	sshrl.u32 s15, $0x3  }
0xf: {  	s19 =	sshrl.u32 s19, $0x3;
	s23 =	sshrl.u32 s23, $0x3;
	s7 =	sadd.s32 s7, s5  }
0x10: {  	s5 =	sadd.s32 s8, s2;
	s8 =	smax.u32 s9, $0x1;
	s13 =	sadd.s32 s21, s13  }
0x11: {  	s15 =	sadd.s32 s21, s15;
	s17 =	sadd.s32 s21, s19;
	s19 =	sshrl.u32 s31, $0x3  }
0x12: {  	s6 =	sadd.s32 $0x5E800, s7;
	s7 =	sadd.s32 $0x4800, s7;
	s9 =	sadd.s32 $0x4000, s5  }
0x13: {  	s10 =	sadd.s32 $0x8000, s5;
	s11 =	sadd.s32 $0xC000, s5;
	s12 =	sadd.s32 $0x10000, s5  }
0x14: {  	v0 =	vimm.f32 $0.0e+00;
	s19 =	sadd.s32 s21, s19;
	s21 =	sadd.s32 s21, s23;
	s23 =	simm.s32 $0x2  }
.LBB2_1:
0x15: {  	s29 =	sand.u32 $0xFE00, s3  }
0x16: {  	s30 =	sand.u32 $0x70, s3;
	s31 =	sshrl.u32 s29, $0x2  }
0x17: {  	s29 =	simm.s32 $0x40;
	s31 =	sor.u32 s30, s31;
	s30 =	simm.s32 $0x0  }
.LBB2_2:
0x18: {  	p0 =	sne.s32 s29, $0xFFC0  }
0x19: {  	[tilespmem:s31+$0x5000] =	vst v0;
	s30 =	sadd.s32 $0x10, s30;
	s31 =	smov.u32 s29;
	s29 =	sadd.s32 $0x40, s29  }
.Ltmp0:
0x1a: {  	(pc) =	sbr.rel @p0 .LBB2_2-.Ltmp0, $4  }
0x1b: {  	_ = 	snop  }
0x1c: {  	s31 =	sand.u32 $0xFE00, s31  }
0x1d: {  	s0 =	sand.u32 $0x70, s30;
	s31 =	sshrl.u32 s31, $0x2  }
0x1e: {  	s31 =	sor.u32 s0, s31  }
0x1f: {  	[tilespmem:s31+$0x5000] =	vst v0  }
0x20: {  	[spmem:s5] =	stream.linear.scatter [tilespmem:s22], [sflag:$0x2], $0x4000, $0x38;
	[tilespmem:$0x1D000] =	vst v63  }
0x21: {  	_ =	swait.ge [sflag:s23], $0x4000  }
0x22: {  	[sflag:s23] =	ssyncset.done $0x0  }
0x23: {  	[sflag:s23] =	ssyncadd.s32 $0xFFFFC000  }
0x24: {  	[spmem:s9] =	stream.linear.scatter [tilespmem:s22], [sflag:$0x2], $0x4000, $0x38;
	[tilespmem:$0x1D000] =	vst v63  }
0x25: {  	_ =	swait.ge [sflag:s23], $0x4000  }
0x26: {  	[sflag:s23] =	ssyncset.done $0x0  }
0x27: {  	[sflag:s23] =	ssyncadd.s32 $0xFFFFC000  }
0x28: {  	[spmem:s10] =	stream.linear.scatter [tilespmem:s22], [sflag:$0x2], $0x4000, $0x38;
	[tilespmem:$0x1D000] =	vst v63  }
0x29: {  	_ =	swait.ge [sflag:s23], $0x4000  }
0x2a: {  	[sflag:s23] =	ssyncset.done $0x0  }
0x2b: {  	[sflag:s23] =	ssyncadd.s32 $0xFFFFC000  }
0x2c: {  	[spmem:s11] =	stream.linear.scatter [tilespmem:s22], [sflag:$0x2], $0x4000, $0x38;
	[tilespmem:$0x1D000] =	vst v63  }
0x2d: {  	_ =	swait.ge [sflag:s23], $0x4000  }
0x2e: {  	[sflag:s23] =	ssyncset.done $0x0  }
0x2f: {  	[sflag:s23] =	ssyncadd.s32 $0xFFFFC000  }
0x30: {  	[spmem:s12] =	stream.linear.scatter [tilespmem:s22], [sflag:$0x2], $0x4000, $0x38;
	[tilespmem:$0x1D000] =	vst v63  }
0x31: {  	_ =	swait.ge [sflag:s23], $0x4000  }
0x32: {  	[sflag:s23] =	ssyncset.done $0x0  }
0x33: {  	[sflag:s23] =	ssyncadd.s32 $0xFFFFC000  }
0x34: {  	s0 =	simm.s32 $0x0;
	[bflag:$0x0] =	sbarrier.arrive $0xFFFF  }
0x35: {  	[tilespmem:s0], [sflag:$0x2] =	stream.linear.gather [hbm4b:s6+s0], $0x2780, $0x38;
	[tilespmem:$0x1D000] =	vst v63  }
0x36: {  	_ =	swait.ge [sflag:s23], $0x2780  }
0x37: {  	[sflag:s23] =	ssyncset.done $0x0  }
0x38: {  	[sflag:s23] =	ssyncadd.s32 $0xFFFFD880  }
0x39: {  	[tilespmem:s24], [sflag:$0x2] =	stream.linear.gather [hbm4b:s7+s0], $0x2780, $0x38;
	[tilespmem:$0x1D000] =	vst v63  }
0x3a: {  	_ =	swait.ge [sflag:s23], $0x2780  }
0x3b: {  	[sflag:s23] =	ssyncset.done $0x0  }
0x3c: {  	s31 =	simm.s32 $0x0;
	[sflag:s23] =	ssyncadd.s32 $0xFFFFD880  }
0x3d: {  	[tilespmem:s22], [sflag:$0x1] =	stream.indirect.gather [hbm4b:s4+s25], $0x80, s31, s25, $0xb8;
	[tilespmem:$0x1D000] =	vst v63  }
0x3e: {  	_ =	swait.ge [sflag:s26], $0x4000  }
0x3f: {  	[sflag:s26] =	ssyncset.done $0x0  }
0x40: {  	s31 =	simm.s32 $0x2800;
	[sflag:s26] =	ssyncadd.s32 $0xFFFFC000  }
0x41: {  	[spmem:s2] =	stream.indirect.scatter.add.f32 [tilespmem:s22], [sflag:$0x2], $0x80, s31, s25, $0xb8;
	[tilespmem:$0x1D000] =	vst v63  }
0x42: {  	_ =	swait.ge [sflag:s23], $0x4000  }
0x43: {  	s29 =	simm.s32 $0x200;
	s30 =	simm.s32 $0x400;
	[sflag:s23] =	ssyncset.done $0x0  }
.LBB2_4:
0x44: {  	s0 =	sshra.s32 s29, $0x2  }
0x45: {  	[sflag:s23] =	ssyncadd.s32 $0xFFFFC000;
	s29 =	smov.u32 s30;
	s31 =	sadd.s32 $0x200, s30  }
0x46: {  	[tilespmem:s22], [sflag:$0x1] =	stream.indirect.gather [hbm4b:s4+s25], $0x80, s0, s25, $0xb8;
	[tilespmem:$0x1D000] =	vst v63  }
0x47: {  	p0 =	sne.s32 s30, $0x9C00;
	_ =	swait.ge [sflag:s26], $0x4000  }
.Ltmp1:
0x48: {  	[sflag:s26] =	ssyncset.done $0x0;
	(pc) =	sbr.rel @p0 .LBB2_4-.Ltmp1, $4  }
0x49: {  	s0 =	sadd.s32 $0x2800, s0;
	[sflag:s26] =	ssyncadd.s32 $0xFFFFC000  }
0x4a: {  	[spmem:s2] =	stream.indirect.scatter.add.f32 [tilespmem:s22], [sflag:$0x2], $0x80, s0, s25, $0xb8;
	[tilespmem:$0x1D000] =	vst v63  }
0x4b: {  	_ =	swait.ge [sflag:s23], $0x4000  }
0x4c: {  	s30 =	smov.u32 s31;
	[sflag:s23] =	ssyncset.done $0x0  }
0x4d: {  	s0 =	sshra.s32 s29, $0x2;
	[sflag:s23] =	ssyncadd.s32 $0xFFFFC000  }
0x4e: {  	[tilespmem:s22], [sflag:$0x1] =	stream.indirect.gather [hbm4b:s4+s25], $0x80, s0, s25, $0xb8;
	[tilespmem:$0x1D000] =	vst v63  }
0x4f: {  	_ =	swait.ge [sflag:s26], $0x4000  }
0x50: {  	[sflag:s26] =	ssyncset.done $0x0  }
0x51: {  	s0 =	sadd.s32 $0x2800, s0;
	[sflag:s26] =	ssyncadd.s32 $0xFFFFC000  }
0x52: {  	[spmem:s2] =	stream.indirect.scatter.add.f32 [tilespmem:s22], [sflag:$0x2], $0x80, s0, s25, $0xb8;
	[tilespmem:$0x1D000] =	vst v63  }
0x53: {  	_ =	swait.ge [sflag:s23], $0x4000  }
0x54: {  	[sflag:s23] =	ssyncset.done $0x0  }
0x55: {  	[sflag:s23] =	ssyncadd.s32 $0xFFFFC000  }
0x56: {  	[bflag:$0x0] =	sbarrier.arrive $0xFFFF  }
0x57: {  	[tilespmem:s22], [sflag:$0x2] =	stream.linear.gather [spmem:s5], $0x4000, $0x38;
	[tilespmem:$0x1D000] =	vst v63  }
0x58: {  	_ =	swait.ge [sflag:s23], $0x4000  }
0x59: {  	[sflag:s23] =	ssyncset.done $0x0  }
0x5a: {  	[sflag:s23] =	ssyncadd.s32 $0xFFFFC000  }
0x5b: {  	[hbm4b:s13+s3] =	stream.linear.scatter [tilespmem:s22], [sflag:$0x2], $0x4000, $0x38;
	[tilespmem:$0x1D000] =	vst v63  }
0x5c: {  	_ =	swait.ge [sflag:s23], $0x4000  }
0x5d: {  	[sflag:s23] =	ssyncset.done $0x0  }
0x5e: {  	[sflag:s23] =	ssyncadd.s32 $0xFFFFC000  }
0x5f: {  	[tilespmem:s22], [sflag:$0x2] =	stream.linear.gather [spmem:s14], $0x4000, $0x38;
	[tilespmem:$0x1D000] =	vst v63  }
0x60: {  	_ =	swait.ge [sflag:s23], $0x4000  }
0x61: {  	[sflag:s23] =	ssyncset.done $0x0  }
0x62: {  	[sflag:s23] =	ssyncadd.s32 $0xFFFFC000  }
0x63: {  	[hbm4b:s15+s3] =	stream.linear.scatter [tilespmem:s22], [sflag:$0x2], $0x4000, $0x38;
	[tilespmem:$0x1D000] =	vst v63  }
0x64: {  	_ =	swait.ge [sflag:s23], $0x4000  }
0x65: {  	[sflag:s23] =	ssyncset.done $0x0  }
0x66: {  	[sflag:s23] =	ssyncadd.s32 $0xFFFFC000  }
0x67: {  	[tilespmem:s22], [sflag:$0x2] =	stream.linear.gather [spmem:s16], $0x4000, $0x38;
	[tilespmem:$0x1D000] =	vst v63  }
0x68: {  	_ =	swait.ge [sflag:s23], $0x4000  }
0x69: {  	[sflag:s23] =	ssyncset.done $0x0  }
0x6a: {  	[sflag:s23] =	ssyncadd.s32 $0xFFFFC000  }
0x6b: {  	[hbm4b:s17+s3] =	stream.linear.scatter [tilespmem:s22], [sflag:$0x2], $0x4000, $0x38;
	[tilespmem:$0x1D000] =	vst v63  }
0x6c: {  	_ =	swait.ge [sflag:s23], $0x4000  }
0x6d: {  	[sflag:s23] =	ssyncset.done $0x0  }
0x6e: {  	[sflag:s23] =	ssyncadd.s32 $0xFFFFC000  }
0x6f: {  	[tilespmem:s22], [sflag:$0x2] =	stream.linear.gather [spmem:s18], $0x4000, $0x38;
	[tilespmem:$0x1D000] =	vst v63  }
0x70: {  	_ =	swait.ge [sflag:s23], $0x4000  }
0x71: {  	[sflag:s23] =	ssyncset.done $0x0  }
0x72: {  	[sflag:s23] =	ssyncadd.s32 $0xFFFFC000  }
0x73: {  	[hbm4b:s19+s3] =	stream.linear.scatter [tilespmem:s22], [sflag:$0x2], $0x4000, $0x38;
	[tilespmem:$0x1D000] =	vst v63  }
0x74: {  	_ =	swait.ge [sflag:s23], $0x4000  }
0x75: {  	[sflag:s23] =	ssyncset.done $0x0  }
0x76: {  	[sflag:s23] =	ssyncadd.s32 $0xFFFFC000  }
0x77: {  	[tilespmem:s22], [sflag:$0x2] =	stream.linear.gather [spmem:s20], $0x4000, $0x38;
	[tilespmem:$0x1D000] =	vst v63  }
0x78: {  	s28 =	sadd.s32 $0x1, s28;
	_ =	swait.ge [sflag:s23], $0x4000  }
0x79: {  	p0 =	sne.s32 s28, s8;
	[sflag:s23] =	ssyncset.done $0x0  }
.Ltmp2:
0x7a: {  	[sflag:s23] =	ssyncadd.s32 $0xFFFFC000;
	(pc) =	sbr.rel @p0 .LBB2_1-.Ltmp2, $4  }
0x7b: {  	[hbm4b:s21+s3] =	stream.linear.scatter [tilespmem:s22], [sflag:$0x2], $0x4000, $0x38;
	[tilespmem:$0x1D000] =	vst v63  }
0x7c: {  	_ =	swait.ge [sflag:s23], $0x4000  }
0x7d: {  	[sflag:s23] =	ssyncset.done $0x0  }
0x7e: {  	[sflag:s23] =	ssyncadd.s32 $0xFFFFC000  }
0x7f: {  	_ =	sfence.sel $0x180000  }
0x80: {  	[bflag:$0x0] =	sbarrier.arrive $0xFFFF  }
0x81: {  	_ =	strace $0x9000004D  }
0x82: {  	[bflag:$0x2] =	sbarrier.arrive $0xFFFF  }
0x83: {  	p0 =	sne.s32 s1, $0x0;
	s0 =	rddreg [dreg:$0x2]  }
0x84: {  	s0 =	sadd.s32 @!p0 $0x100000, s0  }
0x85: {  	[sflag:s0] =	ssyncadd.tile.s32 @!p0 $0x1;
	_ =	shalt  }
.Lfunc_end2:
_tile_overlayer_lowered:
.L_overlay_start_2:
0x86: {  	(tag) =	ssettag $0x2  }
0x87: {  	s0 =	rddreg [dreg:$0x0];
	s2 =	stileid.u32  }
0x88: {  	s1 =	rddreg [dreg:$0x1];
	p0 =	sne.s32 s2, $0x0  }
0x89: {  	s3 =	rddreg [dreg:$0x2];
	[bflag:$0x3] =	sbarrier.arrive $0xFFFF;
	s2 =	simm.s32 @!p0 $0x1C02  }
0x8a: {  	[timem:s3], [sflag:s2] =	dma.local @!p0 [hbm:s0], s1  }
0x8b: {  	s0 =	simm.s32 @!p0 $0x2  }
0x8c: {  	_ =	swait.ge @!p0 [sflag:s0], s1  }
0x8d: {  	s1 =	ssub.s32 @!p0 $0x0, s1;
	[sflag:s0] =	ssyncset.done @!p0 $0x0  }
0x8e: {  	[sflag:s0] =	ssyncadd.s32 @!p0 s1  }
0x8f: {  	[bflag:$0x3] =	sbarrier.arrive $0xFFFF  }
0x90: {  	_ =	shalt  }

// kernel: kernel.19.cloned.1.call-start
scs
__scs_entry_jumppad:
0x0: {  	(pc) =	sbr.rel $0x88, $3  }
0x1: {  	(tag) =	ssettag $0x0;
	lr =	simm.s32 $0x1  }
0x2: {  	[smem:$0x3F8F] =	sst lr;
	_ =	strace $0xD0000000  }
0x3: {  	_ = 	snop  }
0x4: {  	_ = 	snop  }
0x5: {  	_ = 	snop  }
0x6: {  	_ = 	snop  }
0x7: {  	_ = 	snop  }
__scs_overlays_trampoline_lowered:
0x8: {  	[smem:$0x3F9E] =	sst s0  }
0x9: {  	[smem:$0x3F9F] =	sst s1  }
0xa: {  	[smem:$0x3FA0] =	sst s2  }
0xb: {  	[smem:$0x3FA1] =	sst s3  }
0xc: {  	[smem:$0x3FA2] =	sst s4  }
0xd: {  	[smem:$0x3FA3] =	sst s5  }
0xe: {  	[smem:$0x3FA4] =	sst s6  }
0xf: {  	[smem:$0x3FA5] =	sst s7  }
0x10: {  	[smem:$0x3FA6] =	sst s8  }
0x11: {  	[smem:$0x3FA7] =	sst s9;
	s0 =	simm.s32 @!p0 $0x0  }
0x12: {  	s1 =	sld [smem:$0x3F8D];
	s0 =	simm.s32 @p0 $0x1  }
0x13: {  	[smem:$0x3FA8] =	sst s0;
	s0 =	simm.s32 @!p1 $0x0  }
0x14: {  	s2 =	sld [smem:$0x3F8C];
	s0 =	simm.s32 @p1 $0x1  }
0x15: {  	[smem:$0x3FA9] =	sst s0;
	s0 =	simm.s32 @!p2 $0x0  }
0x16: {  	s3 =	sld [smem:$0x3FDB];
	s0 =	simm.s32 @p2 $0x1  }
0x17: {  	s4 =	simm.s32 $0x1BF5;
	[smem:$0x3FAB] =	sst s0  }
0x18: {  	s0 =	sld [smem:$0x3F8E];
	_ =	swait.ge [sflag:s4], $0x0  }
0x19: {  	s7 =	sld [smem:$0x3F8F]  }
0x1a: {  	s8 =	sadd.s32 $0xFFFFE003, lr  }
0x1b: {  	s9 =	sadd.s32 $0xFFFFFEF7, lr;
	s5 =	simm.s32 $0xFFFFFFFF;
	p2 =	slt.u32 s8, $0xFFFFF086  }
0x1c: {  	p1 =	slt.u32 s9, $0xF7A;
	s5 =	simm.s32 @!p2 $0x0  }
0x1d: {  	s5 =	simm.s32 @p1 $0x1;
	p0 =	seq.s32 s7, s2  }
0x1e: {  	s7 =	smul.u32 @!p0 $0xF7A, s2;
	p2 =	seq.s32 @!p0 s5, $0x0  }
0x1f: {  	s9 =	smul.u32 $0xF7A, s1;
	s8 =	simm.s32 @!p0 $0x1BF5;
	p2 =	por !p2, p0  }
0x20: {  	[sflag:s8] =	ssyncset.s32 @!p0 $0xFFFFF086;
	s6 =	sadd.s32 @!p0 s3, s7;
	s7 =	simm.s32 @!p0 $0x108  }
0x21: {  	s3 =	sadd.s32 s3, s9;
	s6 =	sadd.s32 @!p0 $0x88, s6;
	s7 =	simm.s32 @p2 $0x1082  }
0x22: {  	[simem:s7], [sflag:s8] =	dma.local @!p0 [hbm:s6], $0xF7A  }
0x23: {  	s9 =	sor.u32 $0xD0000000, s2;
	s6 =	simm.s32 $0x108;
	_ =	swait.ge @!p0 [sflag:s8], $0x0  }
0x24: {  	s3 =	sadd.s32 $0x88, s3;
	s6 =	simm.s32 @!p1 $0x1082;
	[sflag:s4] =	ssyncset.s32 $0xFFFFF086  }
0x25: {  	[simem:s6], [sflag:s4] =	dma.local [hbm:s3], $0xF7A  }
0x26: {  	[smem:$0x3F8F] =	sst s1;
	(tag) =	ssettag s2;
	_ =	strace s9  }
0x27: {  	s1 =	sld [smem:$0x3F9F]  }
0x28: {  	s2 =	sld [smem:$0x3FA0]  }
0x29: {  	s4 =	sld [smem:$0x3FA2]  }
0x2a: {  	p0 =	seq.s32 s5, $0x0;
	s5 =	sld [smem:$0x3FA3]  }
0x2b: {  	s6 =	sld [smem:$0x3FA4]  }
0x2c: {  	s7 =	sld [smem:$0x3FA5]  }
0x2d: {  	s3 =	simm.s32 $0x108;
	s8 =	sld [smem:$0x3FA6]  }
0x2e: {  	s3 =	simm.s32 @!p0 $0x1082;
	s9 =	sld [smem:$0x3FA7]  }
0x2f: {  	lr =	sadd.s32 s0, s3;
	s0 =	sld [smem:$0x3F9E]  }
0x30: {  	s3 =	sld [smem:$0x3FA1]  }
0x31: {  	[smem:$0x3FAA] =	sst s10  }
0x32: {  	s10 =	sld [smem:$0x3FA8];
	_ =	sdelay $0x3  }
0x33: {  	p0 =	seq.s32 s10, $0x1;
	s10 =	sld [smem:$0x3FAA];
	_ =	sdelay $0x3  }
0x34: {  	[smem:$0x3FAA] =	sst s10  }
0x35: {  	s10 =	sld [smem:$0x3FA9];
	_ =	sdelay $0x3  }
0x36: {  	p1 =	seq.s32 s10, $0x1;
	s10 =	sld [smem:$0x3FAA];
	_ =	sdelay $0x3  }
0x37: {  	[smem:$0x3FAA] =	sst s10  }
0x38: {  	s10 =	sld [smem:$0x3FAB]  }
0x39: {  	_ = 	snop;
	(pc) =	sbr.ind lr, $3  }
0x3a: {  	_ = 	snop  }
0x3b: {  	_ = 	snop  }
0x3c: {  	p2 =	seq.s32 s10, $0x1;
	s10 =	sld [smem:$0x3FAA]  }
0x3d: {  	_ =	shalt  }
0x3e: {  	_ =	shalt  }
0x3f: {  	_ =	shalt  }
0x40: {  	_ =	shalt  }
0x41: {  	_ =	shalt  }
0x42: {  	_ =	shalt  }
0x43: {  	_ =	shalt  }
0x44: {  	_ =	shalt  }
0x45: {  	_ =	shalt  }
0x46: {  	_ =	shalt  }
0x47: {  	_ =	shalt  }
0x48: {  	_ =	shalt  }
0x49: {  	_ =	shalt  }
0x4a: {  	_ =	shalt  }
0x4b: {  	_ =	shalt  }
0x4c: {  	_ =	shalt  }
0x4d: {  	_ =	shalt  }
0x4e: {  	_ =	shalt  }
0x4f: {  	_ =	shalt  }
0x50: {  	_ =	shalt  }
0x51: {  	_ =	shalt  }
0x52: {  	_ =	shalt  }
0x53: {  	_ =	shalt  }
0x54: {  	_ =	shalt  }
0x55: {  	_ =	shalt  }
0x56: {  	_ =	shalt  }
0x57: {  	_ =	shalt  }
0x58: {  	_ =	shalt  }
0x59: {  	_ =	shalt  }
0x5a: {  	_ =	shalt  }
0x5b: {  	_ =	shalt  }
0x5c: {  	_ =	shalt  }
0x5d: {  	_ =	shalt  }
0x5e: {  	_ =	shalt  }
0x5f: {  	_ =	shalt  }
0x60: {  	_ =	shalt  }
0x61: {  	_ =	shalt  }
0x62: {  	_ =	shalt  }
0x63: {  	_ =	shalt  }
0x64: {  	_ =	shalt  }
0x65: {  	_ =	shalt  }
0x66: {  	_ =	shalt  }
0x67: {  	_ =	shalt  }
0x68: {  	_ =	shalt  }
0x69: {  	_ =	shalt  }
0x6a: {  	_ =	shalt  }
0x6b: {  	_ =	shalt  }
0x6c: {  	_ =	shalt  }
0x6d: {  	_ =	shalt  }
0x6e: {  	_ =	shalt  }
0x6f: {  	_ =	shalt  }
0x70: {  	_ =	shalt  }
0x71: {  	_ =	shalt  }
0x72: {  	_ =	shalt  }
0x73: {  	_ =	shalt  }
0x74: {  	_ =	shalt  }
0x75: {  	_ =	shalt  }
0x76: {  	_ =	shalt  }
0x77: {  	_ =	shalt  }
0x78: {  	_ =	shalt  }
0x79: {  	_ =	shalt  }
0x7a: {  	_ =	shalt  }
0x7b: {  	_ =	shalt  }
0x7c: {  	_ =	shalt  }
0x7d: {  	_ =	shalt  }
0x7e: {  	_ =	shalt  }
0x7f: {  	_ =	shalt  }
0x80: {  	_ =	shalt  }
0x81: {  	_ =	shalt  }
0x82: {  	_ =	shalt  }
0x83: {  	_ =	shalt  }
0x84: {  	_ =	shalt  }
0x85: {  	_ =	shalt  }
0x86: {  	_ =	shalt  }
0x87: {  	_ =	shalt  }
.Lfunc_end0:
.L_simem_size_0:
called_computation.3_lowered:
.L_overlay_start_0:
0x88: {  	s2 =	sld [smem:$0x3FD9]  }
0x89: {  	s3 =	sld [smem:$0x3FFE];
	_ =	sdelay $0x1  }
0x8a: {  	s1 =	srdreg.scid  }
0x8b: {  	s0 =	sand.u32 $0x1, s1  }
0x8c: {  	s16 =	sshll.u32 s0, $0xA;
	s2 =	sadd.s32 s3, s2  }
0x8d: {  	s2 =	sadd.s32 s2, s16  }
0x8e: {  	[smem:$0x3FB6] =	sst s2  }
0x8f: {  	_ = 	snop  }
0x90: {  	(tm) =	ssettm $0x1  }
0x91: {  	s17 =	sld [smem:$0x3FFB];
	_ =	sdelay $0x3  }
0x92: {  	_ =	strace s17  }
0x93: {  	s2 =	sld [smem:$0x3FFC];
	_ =	sdelay $0x3  }
0x94: {  	_ =	strace s2  }
0x95: {  	s2 =	sld [smem:$0x3FFD];
	_ =	sdelay $0x3  }
0x96: {  	_ =	strace s2  }
0x97: {  	_ =	strace $0x8FFFFFFF  }
0x98: {  	s18 =	sld [smem:$0x3FDB];
	_ =	sdelay $0x1  }
0x99: {  	s19 =	simm.s32 $_scs_section_size  }
0x9a: {  	s4 =	simm.s32 $_size__tile_overlayer_lowered;
	s5 =	simm.s32 $_tile_overlayer_lowered  }
0x9b: {  	s22 =	simm.s32 $0x1BFF;
	s21 =	sshll.u32 s5, $0x1;
	s2 =	sadd.s32 s19, s18  }
0x9c: {  	s6 =	simm.s32 $0x0;
	s20 =	sshll.u32 s4, $0x1;
	s4 =	sadd.s32 s21, s2  }
0x9d: {  	[timem:s6], [sflag:s22] =	dma.local [hbm:s4], s20  }
0x9e: {  	_ =	swait.ge [sflag:s22], s20  }
0x9f: {  	s3 =	ssub.s32 $0x0, s20;
	[sflag:s22] =	ssyncset.done $0x0  }
0xa0: {  	[sflag:s22] =	ssyncadd.s32 s3;
	_ =	sdelay $0x1  }
0xa1: {  	s23 =	simm.s32 $0x1B8B  }
0xa2: {  	_ =	swait.ge [sflag:s23], $0x1  }
0xa3: {  	[sflag:s23] =	ssyncset.done $0x0  }
0xa4: {  	s25 =	simm.s32 $0x1B8E;
	s24 =	sld [smem:$0x3FFE];
	[sflag:s23] =	ssyncadd.s32 $0xFFFFFFFF  }
0xa5: {  	s26 =	simm.s32 $execute0_lowered;
	[smem:$0x3FD2] =	sst s25  }
0xa6: {  	s4 =	sshll.u32 s26, $0x1;
	_ =	strace $0x8000004F;
	[dreg:$0x1] =	wrdreg $0xFFFFFFFF  }
0xa7: {  	s28 =	simm.s32 $_size_execute0_lowered;
	s2 =	sadd.s32 s2, s4;
	[dreg:$0x0] =	wrdreg $0x0  }
0xa8: {  	s4 =	sshll.u32 s28, $0x1;
	[dreg:$0x2] =	wrdreg s2  }
0xa9: {  	[dreg:$0x3] =	wrdreg s4  }
0xaa: {  	[dreg:$0x4] =	wrdreg $0xC0  }
0xab: {  	_ =	task [dreg:s6], $0x5FFFF  }
0xac: {  	[dreg:$0x1] =	wrdreg $0xFFFFFFFF  }
0xad: {  	[dreg:$0x0] =	wrdreg $0x60  }
0xae: {  	[dreg:$0x2] =	wrdreg s24  }
0xaf: {  	[dreg:$0x3] =	wrdreg $0x90000  }
0xb0: {  	[dreg:$0x4] =	wrdreg $0x9  }
0xb1: {  	_ =	task.clear_ibuf [dreg:s6], $0x5FFFF;
	_ =	strace $0x9000004F  }
0xb2: {  	s29 =	simm.s32 $0x9;
	_ =	strace $0x80000051  }
0xb3: {  	_ =	swait.ge [sflag:s29], $0x1  }
0xb4: {  	[sflag:s29] =	ssyncadd.s32 $0xFFFFFFFF  }
0xb5: {  	_ =	strace $0x90000051  }
0xb6: {  	_ =	sfence  }
0xb7: {  	s30 =	sld [smem:$0x0];
	_ =	sdelay $0x2  }
0xb8: {  	s31 =	sshll.u32 s1, $0xD;
	s1 =	sshrl.u32 s1, $0x2  }
0xb9: {  	s3 =	sand.u32 $0x4000, s31;
	s1 =	sadd.s32 s1, s30  }
0xba: {  	s0 =	sor.u32 s3, s0;
	s1 =	sshll.u32 s1, $0x11  }
0xbb: {  	s0 =	sor.u32 s1, s0  }
0xbc: {  	s0 =	sadd.s32 $0x8F2B, s0  }
0xbd: {  	[sflag:s0] =	ssyncadd.remote.s32 $0x1  }
0xbe: {  	_ =	sfence.sel $0xFFFF  }
0xbf: {  	[dreg:$0x0] =	wrdreg $0xFFFFFFFF;
	(pc) =	sbr.abs _section_cstart, $3  }
0xc0: {  	[dreg:$0x1] =	wrdreg $0xFFFFFFFF  }
0xc1: {  	_ =	task.clear_ibuf [dreg:s6], $0x2FFFF;
	_ =	strace $0x9FFFFFFF  }
0xc2: {  	(tm) =	ssettm $0x7FFFFFFF  }
0xc3: {  	_ =	shalt  }
tec
execute0_lowered:
.L_overlay_start_1:
0x0: {  	(tag) =	ssettag $0x1  }
0x1: {  	s0 =	srdreg.scid;
	s5 =	rddreg [dreg:$0x0]  }
0x2: {  	s2 =	rddreg [dreg:$0x1];
	s1 =	stileid.u32  }
0x3: {  	s3 =	simm.s32 $0x0;
	s24 =	simm.s32 $0x2800;
	s25 =	simm.s32 $0x80  }
0x4: {  	s26 =	simm.s32 $0x1;
	s28 =	simm.s32 $0x0;
	s6 =	sand.u32 $0x1, s0  }
0x5: {  	[smem:$0x7FF] =	sst s3;
	s8 =	smul.u32 $0x50000, s1;
	s21 =	sadd.s32 $0x68800, s5  }
0x6: {  	s17 =	smul.u32 $0x14000, s1;
	s4 =	sshll.u32 s6, $0x4;
	_ =	strace $0x80000050  }
0x7: {  	s30 =	ssub.s32 $0x2, s6;
	s18 =	smul.u32 $0x140000, s6;
	s4 =	sor.u32 s1, s4  }
0x8: {  	s9 =	sshrl.u32 s30, $0x1;
	s8 =	sshrl.u32 s8, $0x2;
	s14 =	sadd.s32 $0x4000, s17  }
0x9: {  	s19 =	sadd.s32 $0x8000, s17;
	s20 =	sadd.s32 $0xC000, s17;
	s22 =	sadd.s32 $0x10000, s17  }
0xa: {  	s7 =	smul.u32 $0x500, s4;
	s4 =	sadd.s32 $0x35A00, s5;
	s9 =	ssub.s32 s30, s9  }
0xb: {  	s12 =	sadd.s32 s18, s17;
	s15 =	sadd.s32 s18, s14;
	s14 =	sadd.s32 s14, s2  }
0xc: {  	s16 =	sadd.s32 s19, s2;
	s19 =	sadd.s32 s18, s19;
	s31 =	sadd.s32 s18, s20  }
0xd: {  	s23 =	sadd.s32 s18, s22;
	s18 =	sadd.s32 s20, s2;
	s20 =	sadd.s32 s22, s2  }
0xe: {  	s22 =	simm.s32 $0x5000;
	s13 =	sshrl.u32 s12, $0x3;
	s15 =	sshrl.u32 s15, $0x3  }
0xf: {  	s19 =	sshrl.u32 s19, $0x3;
	s23 =	sshrl.u32 s23, $0x3;
	s7 =	sadd.s32 s7, s5  }
0x10: {  	s5 =	sadd.s32 s8, s2;
	s8 =	smax.u32 s9, $0x1;
	s13 =	sadd.s32 s21, s13  }
0x11: {  	s15 =	sadd.s32 s21, s15;
	s17 =	sadd.s32 s21, s19;
	s19 =	sshrl.u32 s31, $0x3  }
0x12: {  	s6 =	sadd.s32 $0x5E800, s7;
	s7 =	sadd.s32 $0x4800, s7;
	s9 =	sadd.s32 $0x4000, s5  }
0x13: {  	s10 =	sadd.s32 $0x8000, s5;
	s11 =	sadd.s32 $0xC000, s5;
	s12 =	sadd.s32 $0x10000, s5  }
0x14: {  	v0 =	vimm.f32 $0.0e+00;
	s19 =	sadd.s32 s21, s19;
	s21 =	sadd.s32 s21, s23;
	s23 =	simm.s32 $0x2  }
.LBB2_1:
0x15: {  	s29 =	sand.u32 $0xFE00, s3  }
0x16: {  	s30 =	sand.u32 $0x70, s3;
	s31 =	sshrl.u32 s29, $0x2  }
0x17: {  	s29 =	simm.s32 $0x40;
	s31 =	sor.u32 s30, s31;
	s30 =	simm.s32 $0x0  }
.LBB2_2:
0x18: {  	p0 =	sne.s32 s29, $0xFFC0  }
0x19: {  	[tilespmem:s31+$0x5000] =	vst v0;
	s30 =	sadd.s32 $0x10, s30;
	s31 =	smov.u32 s29;
	s29 =	sadd.s32 $0x40, s29  }
.Ltmp0:
0x1a: {  	(pc) =	sbr.rel @p0 .LBB2_2-.Ltmp0, $4  }
0x1b: {  	_ = 	snop  }
0x1c: {  	s31 =	sand.u32 $0xFE00, s31  }
0x1d: {  	s0 =	sand.u32 $0x70, s30;
	s31 =	sshrl.u32 s31, $0x2  }
0x1e: {  	s31 =	sor.u32 s0, s31  }
0x1f: {  	[tilespmem:s31+$0x5000] =	vst v0  }
0x20: {  	[spmem:s5] =	stream.linear.scatter [tilespmem:s22], [sflag:$0x2], $0x4000, $0x38;
	[tilespmem:$0x1D000] =	vst v63  }
0x21: {  	_ =	swait.ge [sflag:s23], $0x4000  }
0x22: {  	[sflag:s23] =	ssyncset.done $0x0  }
0x23: {  	[sflag:s23] =	ssyncadd.s32 $0xFFFFC000  }
0x24: {  	[spmem:s9] =	stream.linear.scatter [tilespmem:s22], [sflag:$0x2], $0x4000, $0x38;
	[tilespmem:$0x1D000] =	vst v63  }
0x25: {  	_ =	swait.ge [sflag:s23], $0x4000  }
0x26: {  	[sflag:s23] =	ssyncset.done $0x0  }
0x27: {  	[sflag:s23] =	ssyncadd.s32 $0xFFFFC000  }
0x28: {  	[spmem:s10] =	stream.linear.scatter [tilespmem:s22], [sflag:$0x2], $0x4000, $0x38;
	[tilespmem:$0x1D000] =	vst v63  }
0x29: {  	_ =	swait.ge [sflag:s23], $0x4000  }
0x2a: {  	[sflag:s23] =	ssyncset.done $0x0  }
0x2b: {  	[sflag:s23] =	ssyncadd.s32 $0xFFFFC000  }
0x2c: {  	[spmem:s11] =	stream.linear.scatter [tilespmem:s22], [sflag:$0x2], $0x4000, $0x38;
	[tilespmem:$0x1D000] =	vst v63  }
0x2d: {  	_ =	swait.ge [sflag:s23], $0x4000  }
0x2e: {  	[sflag:s23] =	ssyncset.done $0x0  }
0x2f: {  	[sflag:s23] =	ssyncadd.s32 $0xFFFFC000  }
0x30: {  	[spmem:s12] =	stream.linear.scatter [tilespmem:s22], [sflag:$0x2], $0x4000, $0x38;
	[tilespmem:$0x1D000] =	vst v63  }
0x31: {  	_ =	swait.ge [sflag:s23], $0x4000  }
0x32: {  	[sflag:s23] =	ssyncset.done $0x0  }
0x33: {  	[sflag:s23] =	ssyncadd.s32 $0xFFFFC000  }
0x34: {  	s0 =	simm.s32 $0x0;
	[bflag:$0x0] =	sbarrier.arrive $0xFFFF  }
0x35: {  	[tilespmem:s0], [sflag:$0x2] =	stream.linear.gather [hbm4b:s6+s0], $0x2780, $0x38;
	[tilespmem:$0x1D000] =	vst v63  }
0x36: {  	_ =	swait.ge [sflag:s23], $0x2780  }
0x37: {  	[sflag:s23] =	ssyncset.done $0x0  }
0x38: {  	[sflag:s23] =	ssyncadd.s32 $0xFFFFD880  }
0x39: {  	[tilespmem:s24], [sflag:$0x2] =	stream.linear.gather [hbm4b:s7+s0], $0x2780, $0x38;
	[tilespmem:$0x1D000] =	vst v63  }
0x3a: {  	_ =	swait.ge [sflag:s23], $0x2780  }
0x3b: {  	[sflag:s23] =	ssyncset.done $0x0  }
0x3c: {  	s31 =	simm.s32 $0x0;
	[sflag:s23] =	ssyncadd.s32 $0xFFFFD880  }
0x3d: {  	[tilespmem:s22], [sflag:$0x1] =	stream.indirect.gather [hbm4b:s4+s25], $0x80, s31, s25, $0xb8;
	[tilespmem:$0x1D000] =	vst v63  }
0x3e: {  	_ =	swait.ge [sflag:s26], $0x4000  }
0x3f: {  	[sflag:s26] =	ssyncset.done $0x0  }
0x40: {  	s31 =	simm.s32 $0x2800;
	[sflag:s26] =	ssyncadd.s32 $0xFFFFC000  }
0x41: {  	[spmem:s2] =	stream.indirect.scatter.add.f32 [tilespmem:s22], [sflag:$0x2], $0x80, s31, s25, $0xb8;
	[tilespmem:$0x1D000] =	vst v63  }
0x42: {  	_ =	swait.ge [sflag:s23], $0x4000  }
0x43: {  	s29 =	simm.s32 $0x200;
	s30 =	simm.s32 $0x400;
	[sflag:s23] =	ssyncset.done $0x0  }
.LBB2_4:
0x44: {  	s0 =	sshra.s32 s29, $0x2  }
0x45: {  	[sflag:s23] =	ssyncadd.s32 $0xFFFFC000;
	s29 =	smov.u32 s30;
	s31 =	sadd.s32 $0x200, s30  }
0x46: {  	[tilespmem:s22], [sflag:$0x1] =	stream.indirect.gather [hbm4b:s4+s25], $0x80, s0, s25, $0xb8;
	[tilespmem:$0x1D000] =	vst v63  }
0x47: {  	p0 =	sne.s32 s30, $0x9C00;
	_ =	swait.ge [sflag:s26], $0x4000  }
.Ltmp1:
0x48: {  	[sflag:s26] =	ssyncset.done $0x0;
	(pc) =	sbr.rel @p0 .LBB2_4-.Ltmp1, $4  }
0x49: {  	s0 =	sadd.s32 $0x2800, s0;
	[sflag:s26] =	ssyncadd.s32 $0xFFFFC000  }
0x4a: {  	[spmem:s2] =	stream.indirect.scatter.add.f32 [tilespmem:s22], [sflag:$0x2], $0x80, s0, s25, $0xb8;
	[tilespmem:$0x1D000] =	vst v63  }
0x4b: {  	_ =	swait.ge [sflag:s23], $0x4000  }
0x4c: {  	s30 =	smov.u32 s31;
	[sflag:s23] =	ssyncset.done $0x0  }
0x4d: {  	s0 =	sshra.s32 s29, $0x2;
	[sflag:s23] =	ssyncadd.s32 $0xFFFFC000  }
0x4e: {  	[tilespmem:s22], [sflag:$0x1] =	stream.indirect.gather [hbm4b:s4+s25], $0x80, s0, s25, $0xb8;
	[tilespmem:$0x1D000] =	vst v63  }
0x4f: {  	_ =	swait.ge [sflag:s26], $0x4000  }
0x50: {  	[sflag:s26] =	ssyncset.done $0x0  }
0x51: {  	s0 =	sadd.s32 $0x2800, s0;
	[sflag:s26] =	ssyncadd.s32 $0xFFFFC000  }
0x52: {  	[spmem:s2] =	stream.indirect.scatter.add.f32 [tilespmem:s22], [sflag:$0x2], $0x80, s0, s25, $0xb8;
	[tilespmem:$0x1D000] =	vst v63  }
0x53: {  	_ =	swait.ge [sflag:s23], $0x4000  }
0x54: {  	[sflag:s23] =	ssyncset.done $0x0  }
0x55: {  	[sflag:s23] =	ssyncadd.s32 $0xFFFFC000  }
0x56: {  	[bflag:$0x0] =	sbarrier.arrive $0xFFFF  }
0x57: {  	[tilespmem:s22], [sflag:$0x2] =	stream.linear.gather [spmem:s5], $0x4000, $0x38;
	[tilespmem:$0x1D000] =	vst v63  }
0x58: {  	_ =	swait.ge [sflag:s23], $0x4000  }
0x59: {  	[sflag:s23] =	ssyncset.done $0x0  }
0x5a: {  	[sflag:s23] =	ssyncadd.s32 $0xFFFFC000  }
0x5b: {  	[hbm4b:s13+s3] =	stream.linear.scatter [tilespmem:s22], [sflag:$0x2], $0x4000, $0x38;
	[tilespmem:$0x1D000] =	vst v63  }
0x5c: {  	_ =	swait.ge [sflag:s23], $0x4000  }
0x5d: {  	[sflag:s23] =	ssyncset.done $0x0  }
0x5e: {  	[sflag:s23] =	ssyncadd.s32 $0xFFFFC000  }
0x5f: {  	[tilespmem:s22], [sflag:$0x2] =	stream.linear.gather [spmem:s14], $0x4000, $0x38;
	[tilespmem:$0x1D000] =	vst v63  }
0x60: {  	_ =	swait.ge [sflag:s23], $0x4000  }
0x61: {  	[sflag:s23] =	ssyncset.done $0x0  }
0x62: {  	[sflag:s23] =	ssyncadd.s32 $0xFFFFC000  }
0x63: {  	[hbm4b:s15+s3] =	stream.linear.scatter [tilespmem:s22], [sflag:$0x2], $0x4000, $0x38;
	[tilespmem:$0x1D000] =	vst v63  }
0x64: {  	_ =	swait.ge [sflag:s23], $0x4000  }
0x65: {  	[sflag:s23] =	ssyncset.done $0x0  }
0x66: {  	[sflag:s23] =	ssyncadd.s32 $0xFFFFC000  }
0x67: {  	[tilespmem:s22], [sflag:$0x2] =	stream.linear.gather [spmem:s16], $0x4000, $0x38;
	[tilespmem:$0x1D000] =	vst v63  }
0x68: {  	_ =	swait.ge [sflag:s23], $0x4000  }
0x69: {  	[sflag:s23] =	ssyncset.done $0x0  }
0x6a: {  	[sflag:s23] =	ssyncadd.s32 $0xFFFFC000  }
0x6b: {  	[hbm4b:s17+s3] =	stream.linear.scatter [tilespmem:s22], [sflag:$0x2], $0x4000, $0x38;
	[tilespmem:$0x1D000] =	vst v63  }
0x6c: {  	_ =	swait.ge [sflag:s23], $0x4000  }
0x6d: {  	[sflag:s23] =	ssyncset.done $0x0  }
0x6e: {  	[sflag:s23] =	ssyncadd.s32 $0xFFFFC000  }
0x6f: {  	[tilespmem:s22], [sflag:$0x2] =	stream.linear.gather [spmem:s18], $0x4000, $0x38;
	[tilespmem:$0x1D000] =	vst v63  }
0x70: {  	_ =	swait.ge [sflag:s23], $0x4000  }
0x71: {  	[sflag:s23] =	ssyncset.done $0x0  }
0x72: {  	[sflag:s23] =	ssyncadd.s32 $0xFFFFC000  }
0x73: {  	[hbm4b:s19+s3] =	stream.linear.scatter [tilespmem:s22], [sflag:$0x2], $0x4000, $0x38;
	[tilespmem:$0x1D000] =	vst v63  }
0x74: {  	_ =	swait.ge [sflag:s23], $0x4000  }
0x75: {  	[sflag:s23] =	ssyncset.done $0x0  }
0x76: {  	[sflag:s23] =	ssyncadd.s32 $0xFFFFC000  }
0x77: {  	[tilespmem:s22], [sflag:$0x2] =	stream.linear.gather [spmem:s20], $0x4000, $0x38;
	[tilespmem:$0x1D000] =	vst v63  }
0x78: {  	s28 =	sadd.s32 $0x1, s28;
	_ =	swait.ge [sflag:s23], $0x4000  }
0x79: {  	p0 =	sne.s32 s28, s8;
	[sflag:s23] =	ssyncset.done $0x0  }
.Ltmp2:
0x7a: {  	[sflag:s23] =	ssyncadd.s32 $0xFFFFC000;
	(pc) =	sbr.rel @p0 .LBB2_1-.Ltmp2, $4  }
0x7b: {  	[hbm4b:s21+s3] =	stream.linear.scatter [tilespmem:s22], [sflag:$0x2], $0x4000, $0x38;
	[tilespmem:$0x1D000] =	vst v63  }
0x7c: {  	_ =	swait.ge [sflag:s23], $0x4000  }
0x7d: {  	[sflag:s23] =	ssyncset.done $0x0  }
0x7e: {  	[sflag:s23] =	ssyncadd.s32 $0xFFFFC000  }
0x7f: {  	_ =	sfence.sel $0x180000  }
0x80: {  	[bflag:$0x0] =	sbarrier.arrive $0xFFFF  }
0x81: {  	_ =	strace $0x90000050  }
0x82: {  	[bflag:$0x2] =	sbarrier.arrive $0xFFFF  }
0x83: {  	p0 =	sne.s32 s1, $0x0;
	s0 =	rddreg [dreg:$0x2]  }
0x84: {  	s0 =	sadd.s32 @!p0 $0x100000, s0  }
0x85: {  	[sflag:s0] =	ssyncadd.tile.s32 @!p0 $0x1;
	_ =	shalt  }
.Lfunc_end2:
_tile_overlayer_lowered:
.L_overlay_start_2:
0x86: {  	(tag) =	ssettag $0x2  }
0x87: {  	s0 =	rddreg [dreg:$0x0];
	s2 =	stileid.u32  }
0x88: {  	s1 =	rddreg [dreg:$0x1];
	p0 =	sne.s32 s2, $0x0  }
0x89: {  	s3 =	rddreg [dreg:$0x2];
	[bflag:$0x3] =	sbarrier.arrive $0xFFFF;
	s2 =	simm.s32 @!p0 $0x1C02  }
0x8a: {  	[timem:s3], [sflag:s2] =	dma.local @!p0 [hbm:s0], s1  }
0x8b: {  	s0 =	simm.s32 @!p0 $0x2  }
0x8c: {  	_ =	swait.ge @!p0 [sflag:s0], s1  }
0x8d: {  	s1 =	ssub.s32 @!p0 $0x0, s1;
	[sflag:s0] =	ssyncset.done @!p0 $0x0  }
0x8e: {  	[sflag:s0] =	ssyncadd.s32 @!p0 s1  }
0x8f: {  	[bflag:$0x3] =	sbarrier.arrive $0xFFFF  }
0x90: {  	_ =	shalt  }

</sc_bundles>
